<compile_context>
chip_gen: v7x
topology: tpu7x:2x2x1
jax: 0.10.2.dev20260603
libtpu: 0.0.44.dev20260713+nightly
codegen_flags: <defaults>
</compile_context>

<pallas_src>
import functools

import jax
import jax.numpy as jnp
from jax import lax
from jax.experimental import pallas as pl
from jax.experimental.pallas import tpu as pltpu
from jax.experimental.pallas import tpu_sc as plsc

_N = 10000
_E = 160000
_D = 256
_DH = _D // 2
_NC = 2
_NS = 16
_CHUNK = 80
_EPT = _E // _NS
_ROWS = _EPT // _CHUNK
_EPW = _E // (_NC * _NS)
_EPW_P = 5008
_NPT8 = 624
_NPT_LAST = _N - (_NS - 1) * _NPT8
_RB = 1000

_mesh = plsc.VectorSubcoreMesh(core_axis_name="c", subcore_axis_name="s",
                               num_cores=_NC, num_subcores=_NS)



def _sc_deg_body(dst_hbm, out, dst_v, deg_v):
    c = lax.axis_index("c")
    s = lax.axis_index("s")
    wid = s * _NC + c

    zf = jnp.zeros((16,), jnp.float32)

    @pl.loop(0, _N // 16)
    def _(i):
        deg_v[pl.ds(i * 16, 16)] = zf

    dst_v[pl.ds(_EPW_P - 16, 16)] = jnp.zeros((16,), jnp.int32)
    pltpu.sync_copy(dst_hbm.at[pl.ds(wid * _EPW, _EPW)],
                    dst_v.at[pl.ds(0, _EPW)])

    ones = jnp.ones((16,), jnp.float32)

    @pl.loop(0, _EPW // 16)
    def _(i):
        idx = dst_v[pl.ds(i * 16, 16)]
        plsc.addupdate_scatter(deg_v, [idx], ones)

    tail = dst_v[pl.ds(_EPW // 16 * 16, 16)]
    mask = lax.iota(jnp.int32, 16) < (_EPW - _EPW // 16 * 16)
    plsc.addupdate_scatter(deg_v, [tail], ones, mask=mask)

    pltpu.sync_copy(deg_v, out.at[pl.ds(wid * _N, _N)])


_sc_deg = functools.partial(
    pl.kernel,
    out_type=jax.ShapeDtypeStruct((_NC * _NS * _N,), jnp.float32),
    mesh=_mesh,
    scratch_types=[
        pltpu.VMEM((_EPW_P,), jnp.int32),
        pltpu.VMEM((_N,), jnp.float32),
    ],
    compiler_params=pltpu.CompilerParams(needs_layout_passes=False),
)(_sc_deg_body)


def _sc_agg_body(h2, src_hbm, dst_hbm, zeros, out, src_v, dst_v, rowbuf,
                 rowbuf2, agg_sh, sem, sem2):
    c = lax.axis_index("c")
    s = lax.axis_index("s")

    @pl.when(s < _NS - 1)
    def _():
        pltpu.sync_copy(zeros.at[pl.ds(s * _NPT8, _NPT8)],
                        agg_sh.at[pl.ds(s * _NPT8, _NPT8)])

    @pl.when(s == _NS - 1)
    def _():
        pltpu.sync_copy(zeros.at[pl.ds((_NS - 1) * _NPT8, _NPT_LAST)],
                        agg_sh.at[pl.ds((_NS - 1) * _NPT8, _NPT_LAST)])

    pltpu.sync_copy(src_hbm.at[pl.ds(s * _EPT, _EPT)], src_v)
    pltpu.sync_copy(dst_hbm.at[pl.ds(s * _EPT, _EPT)], dst_v)
    plsc.subcore_barrier()

    h_c = h2.at[c]
    bufs = (rowbuf, rowbuf2)
    sems = (sem, sem2)

    def _start_gather(j, buf, sm):
        @pl.when(j < _ROWS)
        def _():
            pltpu.async_copy(h_c.at[src_v.at[pl.ds(j * _CHUNK, _CHUNK)]],
                             buf, sm)

    def _wait_gather(j, buf, sm):
        pltpu.make_async_copy(
            h_c.at[src_v.at[pl.ds(j * _CHUNK, _CHUNK)]], buf, sm).wait()

    def _scatter(j, buf):
        pltpu.sync_copy(buf, agg_sh.at[dst_v.at[pl.ds(j * _CHUNK, _CHUNK)]],
                        add=True)

    _start_gather(0, bufs[0], sems[0])

    @pl.loop(0, _ROWS, step=2)
    def _(j):
        _wait_gather(j, bufs[0], sems[0])
        _start_gather(j + 1, bufs[1], sems[1])
        _scatter(j, bufs[0])

        @pl.when(j + 1 < _ROWS)
        def _():
            _wait_gather(j + 1, bufs[1], sems[1])
            _start_gather(j + 2, bufs[0], sems[0])
            _scatter(j + 1, bufs[1])

    plsc.subcore_barrier()

    @pl.when(s < _NS - 1)
    def _():
        pltpu.sync_copy(agg_sh.at[pl.ds(s * _NPT8, _NPT8)],
                        out.at[c, pl.ds(s * _NPT8, _NPT8)])

    @pl.when(s == _NS - 1)
    def _():
        pltpu.sync_copy(agg_sh.at[pl.ds((_NS - 1) * _NPT8, _NPT_LAST)],
                        out.at[c, pl.ds((_NS - 1) * _NPT8, _NPT_LAST)])


_sc_agg = functools.partial(
    pl.kernel,
    out_type=jax.ShapeDtypeStruct((_NC, _N, _DH), jnp.float32),
    mesh=_mesh,
    scratch_types=[
        pltpu.VMEM((_EPT,), jnp.int32),
        pltpu.VMEM((_EPT,), jnp.int32),
        pltpu.VMEM((_CHUNK, _DH), jnp.float32),
        pltpu.VMEM((_CHUNK, _DH), jnp.float32),
        pltpu.VMEM_SHARED((_N, _DH), jnp.float32),
        pltpu.SemaphoreType.DMA,
        pltpu.SemaphoreType.DMA,
    ],
)(_sc_agg_body)



def _mm0_body(x_ref, w_ref, h2_ref):
    h = jnp.dot(x_ref[...], w_ref[...], preferred_element_type=jnp.float32)
    h2_ref[0] = h[:, :_DH]
    h2_ref[1] = h[:, _DH:]


def _inv_deg(dpt_ref):
    deg = jnp.sum(dpt_ref[...], axis=1, keepdims=True)
    return 1.0 / jnp.maximum(deg, 1.0)


def _upd_body(x_ref, agg_ref, dpt_ref, w_ref, xn_ref, h2_ref):
    inv = _inv_deg(dpt_ref)
    agg = jnp.concatenate([agg_ref[0], agg_ref[1]], axis=-1)
    xn = x_ref[...] + jnp.maximum(agg * inv, 0.0)
    xn_ref[...] = xn
    h = jnp.dot(xn, w_ref[...], preferred_element_type=jnp.float32)
    h2_ref[0] = h[:, :_DH]
    h2_ref[1] = h[:, _DH:]


def _fin_body(x_ref, agg_ref, dpt_ref, out_ref):
    inv = _inv_deg(dpt_ref)
    agg = jnp.concatenate([agg_ref[0], agg_ref[1]], axis=-1)
    xn = x_ref[...] + jnp.maximum(agg * inv, 0.0)
    nrm = jnp.sqrt(jnp.sum(xn * xn, axis=1, keepdims=True))
    out_ref[...] = xn / jnp.maximum(nrm, 1e-12)


_x_spec = pl.BlockSpec((_RB, _D), lambda i: (i, 0))
_agg_spec = pl.BlockSpec((_NC, _RB, _DH), lambda i: (0, i, 0))
_dpt_spec = pl.BlockSpec((_RB, _NC * _NS), lambda i: (i, 0))
_w_spec = pl.BlockSpec((_D, _D), lambda i: (0, 0))
_h2_spec = pl.BlockSpec((_NC, _RB, _DH), lambda i: (0, i, 0))

_mm0 = pl.pallas_call(
    _mm0_body,
    grid=(_N // _RB,),
    in_specs=[_x_spec, _w_spec],
    out_specs=_h2_spec,
    out_shape=jax.ShapeDtypeStruct((_NC, _N, _DH), jnp.float32),
)

_upd = pl.pallas_call(
    _upd_body,
    grid=(_N // _RB,),
    in_specs=[_x_spec, _agg_spec, _dpt_spec, _w_spec],
    out_specs=[_x_spec, _h2_spec],
    out_shape=[jax.ShapeDtypeStruct((_N, _D), jnp.float32),
               jax.ShapeDtypeStruct((_NC, _N, _DH), jnp.float32)],
)

_fin = pl.pallas_call(
    _fin_body,
    grid=(_N // _RB,),
    in_specs=[_x_spec, _agg_spec, _dpt_spec],
    out_specs=_x_spec,
    out_shape=jax.ShapeDtypeStruct((_N, _D), jnp.float32),
)


def kernel(x, edge_index, W0, W1, W2):
    src = edge_index[0]
    dst = edge_index[1]
    zeros = jnp.zeros((_N, _DH), jnp.float32)

    deg_flat = _sc_deg(dst)
    dpt = deg_flat.reshape(_NC * _NS, _N).T

    h2 = _mm0(x, W0)
    agg = _sc_agg(h2, src, dst, zeros)
    x1, h2 = _upd(x, agg, dpt, W1)
    agg = _sc_agg(h2, src, dst, zeros)
    x2, h2 = _upd(x1, agg, dpt, W2)
    agg = _sc_agg(h2, src, dst, zeros)
    return _fin(x2, agg, dpt)

# --- scband reference (transcript-rebuilt; emitter-appended) ---
"""Pipeline reference for scband-gnnstandard-stage-47648367182210 (READ-ONLY COPY).

The authoritative reference and input builder live on the scoring server;
editing this copy changes nothing except your own understanding.
"""

import jax, jax.numpy as jnp
import numpy as np

N = 10000
E = 160000
D = 256
L = 3


def setup_inputs(seed: int = 0) -> dict:
    key = jax.random.key(seed)
    ks = jax.random.split(key, 2 + L)
    x = jax.random.normal(ks[0], (N, D), dtype=jnp.float32)
    edge_index = jax.random.randint(ks[1], (2, E), 0, N, dtype=jnp.int32)
    inp = {"x": x, "edge_index": edge_index}
    for i in range(L):
        inp[f"W{i}"] = jax.random.normal(ks[2 + i], (D, D), dtype=jnp.float32) * (1.0 / np.sqrt(D))
    return inp


def _gcn_layer(x, W, src, dst):
    # GeneralLayer (gcnconv-style): linear transform (no bias), gather messages
    # from source nodes, scatter-add aggregate into destination nodes, mean-normalize.
    h = x @ W
    msg = jnp.take(h, src, axis=0)
    agg = jax.ops.segment_sum(msg, dst, num_segments=N)
    deg = jax.ops.segment_sum(jnp.ones((src.shape[0], 1), dtype=jnp.float32), dst, num_segments=N)
    return agg / jnp.clip(deg, 1.0)


def reference(x, edge_index, W0, W1, W2):
    src = edge_index[0]
    dst = edge_index[1]
    Ws = [W0, W1, W2]
    for i in range(L):
        out = _gcn_layer(x, Ws[i], src, dst)
        # has_act=True for all layers (act_on_last_layer_mp=True)
        out = jax.nn.relu(out)
        # stage_type == 'skipsum'
        x = x + out
    # cfg.gnn.l2norm: F.normalize(x, p=2, dim=-1)
    nrm = jnp.linalg.norm(x, axis=-1, keepdims=True)
    x = x / jnp.clip(nrm, 1e-12)
    return x

if __name__ == "__main__":
    import jax
    _d = setup_inputs()
    print(jax.jit(kernel)(*tuple(_d.values())))

</pallas_src>

<mosaic_0001>
#map = affine_map<(d0, d1) -> (0, 0, 0)>
#map1 = affine_map<(d0, d1) -> (0)>
#map2 = affine_map<(d0, d1) -> (0, 0)>
module attributes {stable_mosaic.version = 14 : i64} {
  func.func @_sc_agg_body(%arg0: i32, %arg1: i32, %arg2: memref<2x10000x128xf32, #tpu.memory_space<hbm>>, %arg3: memref<160000xi32, #tpu.memory_space<hbm>>, %arg4: memref<160000xi32, #tpu.memory_space<hbm>>, %arg5: memref<10000x128xf32, #tpu.memory_space<hbm>>, %arg6: memref<2x10000x128xf32, #tpu.memory_space<hbm>>, %arg7: memref<10000xi32, #tpu.memory_space<vmem>>, %arg8: memref<10000xi32, #tpu.memory_space<vmem>>, %arg9: memref<80x128xf32, #tpu.memory_space<vmem>>, %arg10: memref<80x128xf32, #tpu.memory_space<vmem>>, %arg11: memref<10000x128xf32, #tpu.memory_space<vmem_shared>>, %arg12: memref<!tpu.dma_semaphore, #tpu.memory_space<semaphore_mem>>, %arg13: memref<!tpu.dma_semaphore, #tpu.memory_space<semaphore_mem>>) attributes {dimension_semantics = [#tpu.dimension_semantics<core_parallel>, #tpu.dimension_semantics<subcore_parallel>], iteration_bounds = array<i64: 2, 16>, scalar_prefetch = 0 : i64, scratch_operands = 7 : i64, tpu.core_type = #tpu.core_type<sc_vector_subcore>, window_params = [{transform_indices = #map}, {transform_indices = #map1}, {transform_indices = #map1}, {transform_indices = #map2}, {transform_indices = #map}]} {
    %lt3A = arith.constant 15 : i32
    %lt3A_0 = arith.cmpi slt, %arg1, %lt3A : i32
    %convert_element_type3A = arith.extui %lt3A_0 : i1 to i32
    %cond3A = arith.constant 0 : i32
    %cond3A_1 = arith.cmpi ne, %convert_element_type3A, %cond3A : i32
    scf.if %cond3A_1 {
      %mul3A_32 = arith.constant 624 : i32
      %mul3A_33 = arith.muli %arg1, %mul3A_32 : i32
      %mul3A_34 = arith.constant 624 : i32
      %mul3A_35 = arith.muli %arg1, %mul3A_34 : i32
      "tpu.region"() ({
        %run_scoped3A = tpu.sem_alloc : memref<!tpu.dma_semaphore, #tpu.memory_space<semaphore_mem>>
        %dma_start3A_36 = arith.constant 0 : i32
        %dma_start3A_37 = tpu.memref_slice %arg11[%mul3A_35, %dma_start3A_36] : memref<10000x128xf32, #tpu.memory_space<vmem_shared>> -> memref<624x128xf32, #tpu.memory_space<vmem_shared>>
        %dma_start3A_38 = arith.constant 0 : i32
        %dma_start3A_39 = tpu.memref_slice %arg5[%mul3A_33, %dma_start3A_38] : memref<10000x128xf32, #tpu.memory_space<hbm>> -> memref<624x128xf32, #tpu.memory_space<hbm>>
        tpu.enqueue_dma source(%dma_start3A_39 : memref<624x128xf32, #tpu.memory_space<hbm>>) target(%dma_start3A_37 : memref<624x128xf32, #tpu.memory_space<vmem_shared>>) target_semaphore(%run_scoped3A : memref<!tpu.dma_semaphore, #tpu.memory_space<semaphore_mem>>)
        %dma_wait3A = arith.constant 0 : i32
        %dma_wait3A_40 = tpu.memref_slice %arg11[%mul3A_35, %dma_wait3A] : memref<10000x128xf32, #tpu.memory_space<vmem_shared>> -> memref<624x128xf32, #tpu.memory_space<vmem_shared>>
        %dma_wait3A_41 = arith.constant 0 : i32
        %dma_wait3A_42 = tpu.memref_slice %arg5[%mul3A_33, %dma_wait3A_41] : memref<10000x128xf32, #tpu.memory_space<hbm>> -> memref<624x128xf32, #tpu.memory_space<hbm>>
        tpu.wait_dma2 semaphore(%run_scoped3A : memref<!tpu.dma_semaphore, #tpu.memory_space<semaphore_mem>>) src(%dma_wait3A_42 : memref<624x128xf32, #tpu.memory_space<hbm>>) dst(%dma_wait3A_40 : memref<624x128xf32, #tpu.memory_space<vmem_shared>>)
        tpu.yield
      }) : () -> ()
    } else {
    }
    %eq3A = arith.constant 15 : i32
    %eq3A_2 = arith.cmpi eq, %arg1, %eq3A : i32
    %convert_element_type3A_3 = arith.extui %eq3A_2 : i1 to i32
    %cond3A_4 = arith.constant 0 : i32
    %cond3A_5 = arith.cmpi ne, %convert_element_type3A_3, %cond3A_4 : i32
    scf.if %cond3A_5 {
      "tpu.region"() ({
        %run_scoped3A = tpu.sem_alloc : memref<!tpu.dma_semaphore, #tpu.memory_space<semaphore_mem>>
        %dma_start3A_32 = arith.constant 9360 : i32
        %dma_start3A_33 = arith.constant 0 : i32
        %dma_start3A_34 = tpu.memref_slice %arg11[%dma_start3A_32, %dma_start3A_33] : memref<10000x128xf32, #tpu.memory_space<vmem_shared>> -> memref<640x128xf32, #tpu.memory_space<vmem_shared>>
        %dma_start3A_35 = arith.constant 9360 : i32
        %dma_start3A_36 = arith.constant 0 : i32
        %dma_start3A_37 = tpu.memref_slice %arg5[%dma_start3A_35, %dma_start3A_36] : memref<10000x128xf32, #tpu.memory_space<hbm>> -> memref<640x128xf32, #tpu.memory_space<hbm>>
        tpu.enqueue_dma source(%dma_start3A_37 : memref<640x128xf32, #tpu.memory_space<hbm>>) target(%dma_start3A_34 : memref<640x128xf32, #tpu.memory_space<vmem_shared>>) target_semaphore(%run_scoped3A : memref<!tpu.dma_semaphore, #tpu.memory_space<semaphore_mem>>)
        %dma_wait3A = arith.constant 9360 : i32
        %dma_wait3A_38 = arith.constant 0 : i32
        %dma_wait3A_39 = tpu.memref_slice %arg11[%dma_wait3A, %dma_wait3A_38] : memref<10000x128xf32, #tpu.memory_space<vmem_shared>> -> memref<640x128xf32, #tpu.memory_space<vmem_shared>>
        %dma_wait3A_40 = arith.constant 9360 : i32
        %dma_wait3A_41 = arith.constant 0 : i32
        %dma_wait3A_42 = tpu.memref_slice %arg5[%dma_wait3A_40, %dma_wait3A_41] : memref<10000x128xf32, #tpu.memory_space<hbm>> -> memref<640x128xf32, #tpu.memory_space<hbm>>
        tpu.wait_dma2 semaphore(%run_scoped3A : memref<!tpu.dma_semaphore, #tpu.memory_space<semaphore_mem>>) src(%dma_wait3A_42 : memref<640x128xf32, #tpu.memory_space<hbm>>) dst(%dma_wait3A_39 : memref<640x128xf32, #tpu.memory_space<vmem_shared>>)
        tpu.yield
      }) : () -> ()
    } else {
    }
    %mul3A = arith.constant 10000 : i32
    %mul3A_6 = arith.muli %arg1, %mul3A : i32
    "tpu.region"() ({
      %run_scoped3A = tpu.sem_alloc : memref<!tpu.dma_semaphore, #tpu.memory_space<semaphore_mem>>
      %dma_start3A_32 = tpu.memref_slice %arg3[%mul3A_6] : memref<160000xi32, #tpu.memory_space<hbm>> -> memref<10000xi32, #tpu.memory_space<hbm>>
      %dma_start3A_33 = tpu.memref_slice %arg3[%mul3A_6] : memref<160000xi32, #tpu.memory_space<hbm>> -> memref<10000xi32, #tpu.memory_space<hbm>>
      tpu.enqueue_dma source(%dma_start3A_33 : memref<10000xi32, #tpu.memory_space<hbm>>) target(%arg7 : memref<10000xi32, #tpu.memory_space<vmem>>) target_semaphore(%run_scoped3A : memref<!tpu.dma_semaphore, #tpu.memory_space<semaphore_mem>>)
      %dma_wait3A = tpu.memref_slice %arg3[%mul3A_6] : memref<160000xi32, #tpu.memory_space<hbm>> -> memref<10000xi32, #tpu.memory_space<hbm>>
      %dma_wait3A_34 = tpu.memref_slice %arg3[%mul3A_6] : memref<160000xi32, #tpu.memory_space<hbm>> -> memref<10000xi32, #tpu.memory_space<hbm>>
      tpu.wait_dma2 semaphore(%run_scoped3A : memref<!tpu.dma_semaphore, #tpu.memory_space<semaphore_mem>>) src(%dma_wait3A_34 : memref<10000xi32, #tpu.memory_space<hbm>>) dst(%arg7 : memref<10000xi32, #tpu.memory_space<vmem>>)
      tpu.yield
    }) : () -> ()
    %mul3A_7 = arith.constant 10000 : i32
    %mul3A_8 = arith.muli %arg1, %mul3A_7 : i32
    "tpu.region"() ({
      %run_scoped3A = tpu.sem_alloc : memref<!tpu.dma_semaphore, #tpu.memory_space<semaphore_mem>>
      %dma_start3A_32 = tpu.memref_slice %arg4[%mul3A_8] : memref<160000xi32, #tpu.memory_space<hbm>> -> memref<10000xi32, #tpu.memory_space<hbm>>
      %dma_start3A_33 = tpu.memref_slice %arg4[%mul3A_8] : memref<160000xi32, #tpu.memory_space<hbm>> -> memref<10000xi32, #tpu.memory_space<hbm>>
      tpu.enqueue_dma source(%dma_start3A_33 : memref<10000xi32, #tpu.memory_space<hbm>>) target(%arg8 : memref<10000xi32, #tpu.memory_space<vmem>>) target_semaphore(%run_scoped3A : memref<!tpu.dma_semaphore, #tpu.memory_space<semaphore_mem>>)
      %dma_wait3A = tpu.memref_slice %arg4[%mul3A_8] : memref<160000xi32, #tpu.memory_space<hbm>> -> memref<10000xi32, #tpu.memory_space<hbm>>
      %dma_wait3A_34 = tpu.memref_slice %arg4[%mul3A_8] : memref<160000xi32, #tpu.memory_space<hbm>> -> memref<10000xi32, #tpu.memory_space<hbm>>
      tpu.wait_dma2 semaphore(%run_scoped3A : memref<!tpu.dma_semaphore, #tpu.memory_space<semaphore_mem>>) src(%dma_wait3A_34 : memref<10000xi32, #tpu.memory_space<hbm>>) dst(%arg8 : memref<10000xi32, #tpu.memory_space<vmem>>)
      tpu.yield
    }) : () -> ()
    %barrier3A = arith.constant 0 : index
    tpu.barrier barrier_id(%barrier3A)
    %dma_start3A = arith.constant 0 : i32
    %dma_start3A_9 = tpu.memref_slice %arg7[%dma_start3A] : memref<10000xi32, #tpu.memory_space<vmem>> -> memref<80xi32, #tpu.memory_space<vmem>>
    %dma_start3A_10 = arith.constant 0 : i32
    %dma_start3A_11 = arith.constant 0 : i32
    %dma_start3A_12 = tpu.memref_slice %arg2[%arg0, %dma_start3A_10, %dma_start3A_11] : memref<2x10000x128xf32, #tpu.memory_space<hbm>> -> memref<1x10000x128xf32, #tpu.memory_space<hbm>>
    %dma_start3A_13 = tpu.memref_squeeze %dma_start3A_12 : memref<1x10000x128xf32, #tpu.memory_space<hbm>> -> memref<10000x128xf32, #tpu.memory_space<hbm>>
    %dma_start3A_14 = arith.constant 0 : i32
    %dma_start3A_15 = arith.constant 0 : i32
    %dma_start3A_16 = tpu.memref_slice %dma_start3A_13[%dma_start3A_14, %dma_start3A_15] : memref<10000x128xf32, #tpu.memory_space<hbm>> -> memref<10000x128xf32, #tpu.memory_space<hbm>>
    tpu.enqueue_indirect_dma source(%dma_start3A_16 : memref<10000x128xf32, #tpu.memory_space<hbm>>) target(%arg9 : memref<80x128xf32, #tpu.memory_space<vmem>>) offsets(%dma_start3A_9 : memref<80xi32, #tpu.memory_space<vmem>>) semaphore(%arg12 : memref<!tpu.dma_semaphore, #tpu.memory_space<semaphore_mem>>)
    %scan3A = arith.constant 0 : i32
    %scan3A_17 = arith.constant 63 : i32
    %scan3A_18 = arith.addi %scan3A, %scan3A_17 : i32
    %scan3A_19 = arith.constant 1 : i32
    scf.for %scan3A_32 = %scan3A to %scan3A_18 step %scan3A_19  : i32 {
      %mul3A_33 = arith.constant 2 : i32
      %mul3A_34 = arith.muli %scan3A_32, %mul3A_33 : i32
      %add3A = arith.constant 0 : i32
      %add3A_35 = arith.addi %add3A, %mul3A_34 : i32
      %mul3A_36 = arith.constant 80 : i32
      %mul3A_37 = arith.muli %add3A_35, %mul3A_36 : i32
      %dma_wait3A = tpu.memref_slice %arg7[%mul3A_37] : memref<10000xi32, #tpu.memory_space<vmem>> -> memref<80xi32, #tpu.memory_space<vmem>>
      %dma_wait3A_38 = arith.constant 0 : i32
      %dma_wait3A_39 = arith.constant 0 : i32
      %dma_wait3A_40 = tpu.memref_slice %arg2[%arg0, %dma_wait3A_38, %dma_wait3A_39] : memref<2x10000x128xf32, #tpu.memory_space<hbm>> -> memref<1x10000x128xf32, #tpu.memory_space<hbm>>
      %dma_wait3A_41 = tpu.memref_squeeze %dma_wait3A_40 : memref<1x10000x128xf32, #tpu.memory_space<hbm>> -> memref<10000x128xf32, #tpu.memory_space<hbm>>
      %dma_wait3A_42 = arith.constant 0 : i32
      %dma_wait3A_43 = arith.constant 0 : i32
      %dma_wait3A_44 = tpu.memref_slice %dma_wait3A_41[%dma_wait3A_42, %dma_wait3A_43] : memref<10000x128xf32, #tpu.memory_space<hbm>> -> memref<10000x128xf32, #tpu.memory_space<hbm>>
      tpu.wait_indirect_dma semaphore(%arg12 : memref<!tpu.dma_semaphore, #tpu.memory_space<semaphore_mem>>) src(%dma_wait3A_44 : memref<10000x128xf32, #tpu.memory_space<hbm>>) dst(%arg9 : memref<80x128xf32, #tpu.memory_space<vmem>>)
      %add3A_45 = arith.constant 1 : i32
      %add3A_46 = arith.addi %add3A_35, %add3A_45 : i32
      %lt3A_47 = arith.constant 125 : i32
      %lt3A_48 = arith.cmpi slt, %add3A_46, %lt3A_47 : i32
      %convert_element_type3A_49 = arith.extui %lt3A_48 : i1 to i32
      %cond3A_50 = arith.constant 0 : i32
      %cond3A_51 = arith.cmpi ne, %convert_element_type3A_49, %cond3A_50 : i32
      scf.if %cond3A_51 {
        %mul3A_61 = arith.constant 80 : i32
        %mul3A_62 = arith.muli %add3A_46, %mul3A_61 : i32
        %dma_start3A_63 = tpu.memref_slice %arg7[%mul3A_62] : memref<10000xi32, #tpu.memory_space<vmem>> -> memref<80xi32, #tpu.memory_space<vmem>>
        %dma_start3A_64 = arith.constant 0 : i32
        %dma_start3A_65 = arith.constant 0 : i32
        %dma_start3A_66 = tpu.memref_slice %arg2[%arg0, %dma_start3A_64, %dma_start3A_65] : memref<2x10000x128xf32, #tpu.memory_space<hbm>> -> memref<1x10000x128xf32, #tpu.memory_space<hbm>>
        %dma_start3A_67 = tpu.memref_squeeze %dma_start3A_66 : memref<1x10000x128xf32, #tpu.memory_space<hbm>> -> memref<10000x128xf32, #tpu.memory_space<hbm>>
        %dma_start3A_68 = arith.constant 0 : i32
        %dma_start3A_69 = arith.constant 0 : i32
        %dma_start3A_70 = tpu.memref_slice %dma_start3A_67[%dma_start3A_68, %dma_start3A_69] : memref<10000x128xf32, #tpu.memory_space<hbm>> -> memref<10000x128xf32, #tpu.memory_space<hbm>>
        tpu.enqueue_indirect_dma source(%dma_start3A_70 : memref<10000x128xf32, #tpu.memory_space<hbm>>) target(%arg10 : memref<80x128xf32, #tpu.memory_space<vmem>>) offsets(%dma_start3A_63 : memref<80xi32, #tpu.memory_space<vmem>>) semaphore(%arg13 : memref<!tpu.dma_semaphore, #tpu.memory_space<semaphore_mem>>)
      } else {
      }
      %mul3A_52 = arith.constant 80 : i32
      %mul3A_53 = arith.muli %add3A_35, %mul3A_52 : i32
      "tpu.region"() ({
        %run_scoped3A = tpu.sem_alloc : memref<!tpu.dma_semaphore, #tpu.memory_space<semaphore_mem>>
        %dma_start3A_61 = tpu.memref_slice %arg8[%mul3A_53] : memref<10000xi32, #tpu.memory_space<vmem>> -> memref<80xi32, #tpu.memory_space<vmem>>
        %dma_start3A_62 = arith.constant 0 : i32
        %dma_start3A_63 = arith.constant 0 : i32
        %dma_start3A_64 = tpu.memref_slice %arg11[%dma_start3A_62, %dma_start3A_63] : memref<10000x128xf32, #tpu.memory_space<vmem_shared>> -> memref<10000x128xf32, #tpu.memory_space<vmem_shared>>
        tpu.enqueue_indirect_dma source(%arg9 : memref<80x128xf32, #tpu.memory_space<vmem>>) target(%dma_start3A_64 : memref<10000x128xf32, #tpu.memory_space<vmem_shared>>) offsets(%dma_start3A_61 : memref<80xi32, #tpu.memory_space<vmem>>) semaphore(%run_scoped3A : memref<!tpu.dma_semaphore, #tpu.memory_space<semaphore_mem>>) {add = true}
        %dma_wait3A_65 = tpu.memref_slice %arg8[%mul3A_53] : memref<10000xi32, #tpu.memory_space<vmem>> -> memref<80xi32, #tpu.memory_space<vmem>>
        %dma_wait3A_66 = arith.constant 0 : i32
        %dma_wait3A_67 = arith.constant 0 : i32
        %dma_wait3A_68 = tpu.memref_slice %arg11[%dma_wait3A_66, %dma_wait3A_67] : memref<10000x128xf32, #tpu.memory_space<vmem_shared>> -> memref<10000x128xf32, #tpu.memory_space<vmem_shared>>
        tpu.wait_indirect_dma semaphore(%run_scoped3A : memref<!tpu.dma_semaphore, #tpu.memory_space<semaphore_mem>>) src(%arg9 : memref<80x128xf32, #tpu.memory_space<vmem>>) dst(%dma_wait3A_68 : memref<10000x128xf32, #tpu.memory_space<vmem_shared>>)
        tpu.yield
      }) : () -> ()
      %add3A_54 = arith.constant 1 : i32
      %add3A_55 = arith.addi %add3A_35, %add3A_54 : i32
      %lt3A_56 = arith.constant 125 : i32
      %lt3A_57 = arith.cmpi slt, %add3A_55, %lt3A_56 : i32
      %convert_element_type3A_58 = arith.extui %lt3A_57 : i1 to i32
      %cond3A_59 = arith.constant 0 : i32
      %cond3A_60 = arith.cmpi ne, %convert_element_type3A_58, %cond3A_59 : i32
      scf.if %cond3A_60 {
        %add3A_61 = arith.constant 1 : i32
        %add3A_62 = arith.addi %add3A_35, %add3A_61 : i32
        %mul3A_63 = arith.constant 80 : i32
        %mul3A_64 = arith.muli %add3A_62, %mul3A_63 : i32
        %dma_wait3A_65 = tpu.memref_slice %arg7[%mul3A_64] : memref<10000xi32, #tpu.memory_space<vmem>> -> memref<80xi32, #tpu.memory_space<vmem>>
        %dma_wait3A_66 = arith.constant 0 : i32
        %dma_wait3A_67 = arith.constant 0 : i32
        %dma_wait3A_68 = tpu.memref_slice %arg2[%arg0, %dma_wait3A_66, %dma_wait3A_67] : memref<2x10000x128xf32, #tpu.memory_space<hbm>> -> memref<1x10000x128xf32, #tpu.memory_space<hbm>>
        %dma_wait3A_69 = tpu.memref_squeeze %dma_wait3A_68 : memref<1x10000x128xf32, #tpu.memory_space<hbm>> -> memref<10000x128xf32, #tpu.memory_space<hbm>>
        %dma_wait3A_70 = arith.constant 0 : i32
        %dma_wait3A_71 = arith.constant 0 : i32
        %dma_wait3A_72 = tpu.memref_slice %dma_wait3A_69[%dma_wait3A_70, %dma_wait3A_71] : memref<10000x128xf32, #tpu.memory_space<hbm>> -> memref<10000x128xf32, #tpu.memory_space<hbm>>
        tpu.wait_indirect_dma semaphore(%arg13 : memref<!tpu.dma_semaphore, #tpu.memory_space<semaphore_mem>>) src(%dma_wait3A_72 : memref<10000x128xf32, #tpu.memory_space<hbm>>) dst(%arg10 : memref<80x128xf32, #tpu.memory_space<vmem>>)
        %add3A_73 = arith.constant 2 : i32
        %add3A_74 = arith.addi %add3A_35, %add3A_73 : i32
        %lt3A_75 = arith.constant 125 : i32
        %lt3A_76 = arith.cmpi slt, %add3A_74, %lt3A_75 : i32
        %convert_element_type3A_77 = arith.extui %lt3A_76 : i1 to i32
        %cond3A_78 = arith.constant 0 : i32
        %cond3A_79 = arith.cmpi ne, %convert_element_type3A_77, %cond3A_78 : i32
        scf.if %cond3A_79 {
          %mul3A_84 = arith.constant 80 : i32
          %mul3A_85 = arith.muli %add3A_74, %mul3A_84 : i32
          %dma_start3A_86 = tpu.memref_slice %arg7[%mul3A_85] : memref<10000xi32, #tpu.memory_space<vmem>> -> memref<80xi32, #tpu.memory_space<vmem>>
          %dma_start3A_87 = arith.constant 0 : i32
          %dma_start3A_88 = arith.constant 0 : i32
          %dma_start3A_89 = tpu.memref_slice %arg2[%arg0, %dma_start3A_87, %dma_start3A_88] : memref<2x10000x128xf32, #tpu.memory_space<hbm>> -> memref<1x10000x128xf32, #tpu.memory_space<hbm>>
          %dma_start3A_90 = tpu.memref_squeeze %dma_start3A_89 : memref<1x10000x128xf32, #tpu.memory_space<hbm>> -> memref<10000x128xf32, #tpu.memory_space<hbm>>
          %dma_start3A_91 = arith.constant 0 : i32
          %dma_start3A_92 = arith.constant 0 : i32
          %dma_start3A_93 = tpu.memref_slice %dma_start3A_90[%dma_start3A_91, %dma_start3A_92] : memref<10000x128xf32, #tpu.memory_space<hbm>> -> memref<10000x128xf32, #tpu.memory_space<hbm>>
          tpu.enqueue_indirect_dma source(%dma_start3A_93 : memref<10000x128xf32, #tpu.memory_space<hbm>>) target(%arg9 : memref<80x128xf32, #tpu.memory_space<vmem>>) offsets(%dma_start3A_86 : memref<80xi32, #tpu.memory_space<vmem>>) semaphore(%arg12 : memref<!tpu.dma_semaphore, #tpu.memory_space<semaphore_mem>>)
        } else {
        }
        %add3A_80 = arith.constant 1 : i32
        %add3A_81 = arith.addi %add3A_35, %add3A_80 : i32
        %mul3A_82 = arith.constant 80 : i32
        %mul3A_83 = arith.muli %add3A_81, %mul3A_82 : i32
        "tpu.region"() ({
          %run_scoped3A = tpu.sem_alloc : memref<!tpu.dma_semaphore, #tpu.memory_space<semaphore_mem>>
          %dma_start3A_84 = tpu.memref_slice %arg8[%mul3A_83] : memref<10000xi32, #tpu.memory_space<vmem>> -> memref<80xi32, #tpu.memory_space<vmem>>
          %dma_start3A_85 = arith.constant 0 : i32
          %dma_start3A_86 = arith.constant 0 : i32
          %dma_start3A_87 = tpu.memref_slice %arg11[%dma_start3A_85, %dma_start3A_86] : memref<10000x128xf32, #tpu.memory_space<vmem_shared>> -> memref<10000x128xf32, #tpu.memory_space<vmem_shared>>
          tpu.enqueue_indirect_dma source(%arg10 : memref<80x128xf32, #tpu.memory_space<vmem>>) target(%dma_start3A_87 : memref<10000x128xf32, #tpu.memory_space<vmem_shared>>) offsets(%dma_start3A_84 : memref<80xi32, #tpu.memory_space<vmem>>) semaphore(%run_scoped3A : memref<!tpu.dma_semaphore, #tpu.memory_space<semaphore_mem>>) {add = true}
          %dma_wait3A_88 = tpu.memref_slice %arg8[%mul3A_83] : memref<10000xi32, #tpu.memory_space<vmem>> -> memref<80xi32, #tpu.memory_space<vmem>>
          %dma_wait3A_89 = arith.constant 0 : i32
          %dma_wait3A_90 = arith.constant 0 : i32
          %dma_wait3A_91 = tpu.memref_slice %arg11[%dma_wait3A_89, %dma_wait3A_90] : memref<10000x128xf32, #tpu.memory_space<vmem_shared>> -> memref<10000x128xf32, #tpu.memory_space<vmem_shared>>
          tpu.wait_indirect_dma semaphore(%run_scoped3A : memref<!tpu.dma_semaphore, #tpu.memory_space<semaphore_mem>>) src(%arg10 : memref<80x128xf32, #tpu.memory_space<vmem>>) dst(%dma_wait3A_91 : memref<10000x128xf32, #tpu.memory_space<vmem_shared>>)
          tpu.yield
        }) : () -> ()
      } else {
      }
    }
    %scan3A_20 = arith.constant 63 : i32
    %barrier3A_21 = arith.constant 0 : index
    tpu.barrier barrier_id(%barrier3A_21)
    %lt3A_22 = arith.constant 15 : i32
    %lt3A_23 = arith.cmpi slt, %arg1, %lt3A_22 : i32
    %convert_element_type3A_24 = arith.extui %lt3A_23 : i1 to i32
    %cond3A_25 = arith.constant 0 : i32
    %cond3A_26 = arith.cmpi ne, %convert_element_type3A_24, %cond3A_25 : i32
    scf.if %cond3A_26 {
      %mul3A_32 = arith.constant 624 : i32
      %mul3A_33 = arith.muli %arg1, %mul3A_32 : i32
      %mul3A_34 = arith.constant 624 : i32
      %mul3A_35 = arith.muli %arg1, %mul3A_34 : i32
      "tpu.region"() ({
        %run_scoped3A = tpu.sem_alloc : memref<!tpu.dma_semaphore, #tpu.memory_space<semaphore_mem>>
        %dma_start3A_36 = arith.constant 0 : i32
        %dma_start3A_37 = tpu.memref_slice %arg6[%arg0, %mul3A_35, %dma_start3A_36] : memref<2x10000x128xf32, #tpu.memory_space<hbm>> -> memref<1x624x128xf32, #tpu.memory_space<hbm>>
        %dma_start3A_38 = tpu.memref_squeeze %dma_start3A_37 : memref<1x624x128xf32, #tpu.memory_space<hbm>> -> memref<624x128xf32, #tpu.memory_space<hbm>>
        %dma_start3A_39 = arith.constant 0 : i32
        %dma_start3A_40 = tpu.memref_slice %arg11[%mul3A_33, %dma_start3A_39] : memref<10000x128xf32, #tpu.memory_space<vmem_shared>> -> memref<624x128xf32, #tpu.memory_space<vmem_shared>>
        tpu.enqueue_dma source(%dma_start3A_40 : memref<624x128xf32, #tpu.memory_space<vmem_shared>>) target(%dma_start3A_38 : memref<624x128xf32, #tpu.memory_space<hbm>>) target_semaphore(%run_scoped3A : memref<!tpu.dma_semaphore, #tpu.memory_space<semaphore_mem>>)
        %dma_wait3A = arith.constant 0 : i32
        %dma_wait3A_41 = tpu.memref_slice %arg6[%arg0, %mul3A_35, %dma_wait3A] : memref<2x10000x128xf32, #tpu.memory_space<hbm>> -> memref<1x624x128xf32, #tpu.memory_space<hbm>>
        %dma_wait3A_42 = tpu.memref_squeeze %dma_wait3A_41 : memref<1x624x128xf32, #tpu.memory_space<hbm>> -> memref<624x128xf32, #tpu.memory_space<hbm>>
        %dma_wait3A_43 = arith.constant 0 : i32
        %dma_wait3A_44 = tpu.memref_slice %arg11[%mul3A_33, %dma_wait3A_43] : memref<10000x128xf32, #tpu.memory_space<vmem_shared>> -> memref<624x128xf32, #tpu.memory_space<vmem_shared>>
        tpu.wait_dma2 semaphore(%run_scoped3A : memref<!tpu.dma_semaphore, #tpu.memory_space<semaphore_mem>>) src(%dma_wait3A_44 : memref<624x128xf32, #tpu.memory_space<vmem_shared>>) dst(%dma_wait3A_42 : memref<624x128xf32, #tpu.memory_space<hbm>>)
        tpu.yield
      }) : () -> ()
    } else {
    }
    %eq3A_27 = arith.constant 15 : i32
    %eq3A_28 = arith.cmpi eq, %arg1, %eq3A_27 : i32
    %convert_element_type3A_29 = arith.extui %eq3A_28 : i1 to i32
    %cond3A_30 = arith.constant 0 : i32
    %cond3A_31 = arith.cmpi ne, %convert_element_type3A_29, %cond3A_30 : i32
    scf.if %cond3A_31 {
      "tpu.region"() ({
        %run_scoped3A = tpu.sem_alloc : memref<!tpu.dma_semaphore, #tpu.memory_space<semaphore_mem>>
        %dma_start3A_32 = arith.constant 9360 : i32
        %dma_start3A_33 = arith.constant 0 : i32
        %dma_start3A_34 = tpu.memref_slice %arg6[%arg0, %dma_start3A_32, %dma_start3A_33] : memref<2x10000x128xf32, #tpu.memory_space<hbm>> -> memref<1x640x128xf32, #tpu.memory_space<hbm>>
        %dma_start3A_35 = tpu.memref_squeeze %dma_start3A_34 : memref<1x640x128xf32, #tpu.memory_space<hbm>> -> memref<640x128xf32, #tpu.memory_space<hbm>>
        %dma_start3A_36 = arith.constant 9360 : i32
        %dma_start3A_37 = arith.constant 0 : i32
        %dma_start3A_38 = tpu.memref_slice %arg11[%dma_start3A_36, %dma_start3A_37] : memref<10000x128xf32, #tpu.memory_space<vmem_shared>> -> memref<640x128xf32, #tpu.memory_space<vmem_shared>>
        tpu.enqueue_dma source(%dma_start3A_38 : memref<640x128xf32, #tpu.memory_space<vmem_shared>>) target(%dma_start3A_35 : memref<640x128xf32, #tpu.memory_space<hbm>>) target_semaphore(%run_scoped3A : memref<!tpu.dma_semaphore, #tpu.memory_space<semaphore_mem>>)
        %dma_wait3A = arith.constant 9360 : i32
        %dma_wait3A_39 = arith.constant 0 : i32
        %dma_wait3A_40 = tpu.memref_slice %arg6[%arg0, %dma_wait3A, %dma_wait3A_39] : memref<2x10000x128xf32, #tpu.memory_space<hbm>> -> memref<1x640x128xf32, #tpu.memory_space<hbm>>
        %dma_wait3A_41 = tpu.memref_squeeze %dma_wait3A_40 : memref<1x640x128xf32, #tpu.memory_space<hbm>> -> memref<640x128xf32, #tpu.memory_space<hbm>>
        %dma_wait3A_42 = arith.constant 9360 : i32
        %dma_wait3A_43 = arith.constant 0 : i32
        %dma_wait3A_44 = tpu.memref_slice %arg11[%dma_wait3A_42, %dma_wait3A_43] : memref<10000x128xf32, #tpu.memory_space<vmem_shared>> -> memref<640x128xf32, #tpu.memory_space<vmem_shared>>
        tpu.wait_dma2 semaphore(%run_scoped3A : memref<!tpu.dma_semaphore, #tpu.memory_space<semaphore_mem>>) src(%dma_wait3A_44 : memref<640x128xf32, #tpu.memory_space<vmem_shared>>) dst(%dma_wait3A_41 : memref<640x128xf32, #tpu.memory_space<hbm>>)
        tpu.yield
      }) : () -> ()
    } else {
    }
    return
  }
}

#map = affine_map<(d0, d1) -> (0, 0, 0)>
#map1 = affine_map<(d0, d1) -> (0)>
#map2 = affine_map<(d0, d1) -> (0, 0)>
module attributes {stable_mosaic.version = 14 : i64} {
  func.func @_sc_agg_body(%arg0: i32, %arg1: i32, %arg2: memref<2x10000x128xf32, #tpu.memory_space<hbm>>, %arg3: memref<160000xi32, #tpu.memory_space<hbm>>, %arg4: memref<160000xi32, #tpu.memory_space<hbm>>, %arg5: memref<10000x128xf32, #tpu.memory_space<hbm>>, %arg6: memref<2x10000x128xf32, #tpu.memory_space<hbm>>, %arg7: memref<10000xi32, #tpu.memory_space<vmem>>, %arg8: memref<10000xi32, #tpu.memory_space<vmem>>, %arg9: memref<80x128xf32, #tpu.memory_space<vmem>>, %arg10: memref<80x128xf32, #tpu.memory_space<vmem>>, %arg11: memref<10000x128xf32, #tpu.memory_space<vmem_shared>>, %arg12: memref<!tpu.dma_semaphore, #tpu.memory_space<semaphore_mem>>, %arg13: memref<!tpu.dma_semaphore, #tpu.memory_space<semaphore_mem>>) attributes {dimension_semantics = [#tpu.dimension_semantics<core_parallel>, #tpu.dimension_semantics<subcore_parallel>], iteration_bounds = array<i64: 2, 16>, scalar_prefetch = 0 : i64, scratch_operands = 7 : i64, tpu.core_type = #tpu.core_type<sc_vector_subcore>, window_params = [{transform_indices = #map}, {transform_indices = #map1}, {transform_indices = #map1}, {transform_indices = #map2}, {transform_indices = #map}]} {
    %lt3A = arith.constant 15 : i32
    %lt3A_0 = arith.cmpi slt, %arg1, %lt3A : i32
    %convert_element_type3A = arith.extui %lt3A_0 : i1 to i32
    %cond3A = arith.constant 0 : i32
    %cond3A_1 = arith.cmpi ne, %convert_element_type3A, %cond3A : i32
    scf.if %cond3A_1 {
      %mul3A_32 = arith.constant 624 : i32
      %mul3A_33 = arith.muli %arg1, %mul3A_32 : i32
      %mul3A_34 = arith.constant 624 : i32
      %mul3A_35 = arith.muli %arg1, %mul3A_34 : i32
      "tpu.region"() ({
        %run_scoped3A = tpu.sem_alloc : memref<!tpu.dma_semaphore, #tpu.memory_space<semaphore_mem>>
        %dma_start3A_36 = arith.constant 0 : i32
        %dma_start3A_37 = tpu.memref_slice %arg11[%mul3A_35, %dma_start3A_36] : memref<10000x128xf32, #tpu.memory_space<vmem_shared>> -> memref<624x128xf32, #tpu.memory_space<vmem_shared>>
        %dma_start3A_38 = arith.constant 0 : i32
        %dma_start3A_39 = tpu.memref_slice %arg5[%mul3A_33, %dma_start3A_38] : memref<10000x128xf32, #tpu.memory_space<hbm>> -> memref<624x128xf32, #tpu.memory_space<hbm>>
        tpu.enqueue_dma source(%dma_start3A_39 : memref<624x128xf32, #tpu.memory_space<hbm>>) target(%dma_start3A_37 : memref<624x128xf32, #tpu.memory_space<vmem_shared>>) target_semaphore(%run_scoped3A : memref<!tpu.dma_semaphore, #tpu.memory_space<semaphore_mem>>)
        %dma_wait3A = arith.constant 0 : i32
        %dma_wait3A_40 = tpu.memref_slice %arg11[%mul3A_35, %dma_wait3A] : memref<10000x128xf32, #tpu.memory_space<vmem_shared>> -> memref<624x128xf32, #tpu.memory_space<vmem_shared>>
        %dma_wait3A_41 = arith.constant 0 : i32
        %dma_wait3A_42 = tpu.memref_slice %arg5[%mul3A_33, %dma_wait3A_41] : memref<10000x128xf32, #tpu.memory_space<hbm>> -> memref<624x128xf32, #tpu.memory_space<hbm>>
        tpu.wait_dma2 semaphore(%run_scoped3A : memref<!tpu.dma_semaphore, #tpu.memory_space<semaphore_mem>>) src(%dma_wait3A_42 : memref<624x128xf32, #tpu.memory_space<hbm>>) dst(%dma_wait3A_40 : memref<624x128xf32, #tpu.memory_space<vmem_shared>>)
        tpu.yield
      }) : () -> ()
    } else {
    }
    %eq3A = arith.constant 15 : i32
    %eq3A_2 = arith.cmpi eq, %arg1, %eq3A : i32
    %convert_element_type3A_3 = arith.extui %eq3A_2 : i1 to i32
    %cond3A_4 = arith.constant 0 : i32
    %cond3A_5 = arith.cmpi ne, %convert_element_type3A_3, %cond3A_4 : i32
    scf.if %cond3A_5 {
      "tpu.region"() ({
        %run_scoped3A = tpu.sem_alloc : memref<!tpu.dma_semaphore, #tpu.memory_space<semaphore_mem>>
        %dma_start3A_32 = arith.constant 9360 : i32
        %dma_start3A_33 = arith.constant 0 : i32
        %dma_start3A_34 = tpu.memref_slice %arg11[%dma_start3A_32, %dma_start3A_33] : memref<10000x128xf32, #tpu.memory_space<vmem_shared>> -> memref<640x128xf32, #tpu.memory_space<vmem_shared>>
        %dma_start3A_35 = arith.constant 9360 : i32
        %dma_start3A_36 = arith.constant 0 : i32
        %dma_start3A_37 = tpu.memref_slice %arg5[%dma_start3A_35, %dma_start3A_36] : memref<10000x128xf32, #tpu.memory_space<hbm>> -> memref<640x128xf32, #tpu.memory_space<hbm>>
        tpu.enqueue_dma source(%dma_start3A_37 : memref<640x128xf32, #tpu.memory_space<hbm>>) target(%dma_start3A_34 : memref<640x128xf32, #tpu.memory_space<vmem_shared>>) target_semaphore(%run_scoped3A : memref<!tpu.dma_semaphore, #tpu.memory_space<semaphore_mem>>)
        %dma_wait3A = arith.constant 9360 : i32
        %dma_wait3A_38 = arith.constant 0 : i32
        %dma_wait3A_39 = tpu.memref_slice %arg11[%dma_wait3A, %dma_wait3A_38] : memref<10000x128xf32, #tpu.memory_space<vmem_shared>> -> memref<640x128xf32, #tpu.memory_space<vmem_shared>>
        %dma_wait3A_40 = arith.constant 9360 : i32
        %dma_wait3A_41 = arith.constant 0 : i32
        %dma_wait3A_42 = tpu.memref_slice %arg5[%dma_wait3A_40, %dma_wait3A_41] : memref<10000x128xf32, #tpu.memory_space<hbm>> -> memref<640x128xf32, #tpu.memory_space<hbm>>
        tpu.wait_dma2 semaphore(%run_scoped3A : memref<!tpu.dma_semaphore, #tpu.memory_space<semaphore_mem>>) src(%dma_wait3A_42 : memref<640x128xf32, #tpu.memory_space<hbm>>) dst(%dma_wait3A_39 : memref<640x128xf32, #tpu.memory_space<vmem_shared>>)
        tpu.yield
      }) : () -> ()
    } else {
    }
    %mul3A = arith.constant 10000 : i32
    %mul3A_6 = arith.muli %arg1, %mul3A : i32
    "tpu.region"() ({
      %run_scoped3A = tpu.sem_alloc : memref<!tpu.dma_semaphore, #tpu.memory_space<semaphore_mem>>
      %dma_start3A_32 = tpu.memref_slice %arg3[%mul3A_6] : memref<160000xi32, #tpu.memory_space<hbm>> -> memref<10000xi32, #tpu.memory_space<hbm>>
      %dma_start3A_33 = tpu.memref_slice %arg3[%mul3A_6] : memref<160000xi32, #tpu.memory_space<hbm>> -> memref<10000xi32, #tpu.memory_space<hbm>>
      tpu.enqueue_dma source(%dma_start3A_33 : memref<10000xi32, #tpu.memory_space<hbm>>) target(%arg7 : memref<10000xi32, #tpu.memory_space<vmem>>) target_semaphore(%run_scoped3A : memref<!tpu.dma_semaphore, #tpu.memory_space<semaphore_mem>>)
      %dma_wait3A = tpu.memref_slice %arg3[%mul3A_6] : memref<160000xi32, #tpu.memory_space<hbm>> -> memref<10000xi32, #tpu.memory_space<hbm>>
      %dma_wait3A_34 = tpu.memref_slice %arg3[%mul3A_6] : memref<160000xi32, #tpu.memory_space<hbm>> -> memref<10000xi32, #tpu.memory_space<hbm>>
      tpu.wait_dma2 semaphore(%run_scoped3A : memref<!tpu.dma_semaphore, #tpu.memory_space<semaphore_mem>>) src(%dma_wait3A_34 : memref<10000xi32, #tpu.memory_space<hbm>>) dst(%arg7 : memref<10000xi32, #tpu.memory_space<vmem>>)
      tpu.yield
    }) : () -> ()
    %mul3A_7 = arith.constant 10000 : i32
    %mul3A_8 = arith.muli %arg1, %mul3A_7 : i32
    "tpu.region"() ({
      %run_scoped3A = tpu.sem_alloc : memref<!tpu.dma_semaphore, #tpu.memory_space<semaphore_mem>>
      %dma_start3A_32 = tpu.memref_slice %arg4[%mul3A_8] : memref<160000xi32, #tpu.memory_space<hbm>> -> memref<10000xi32, #tpu.memory_space<hbm>>
      %dma_start3A_33 = tpu.memref_slice %arg4[%mul3A_8] : memref<160000xi32, #tpu.memory_space<hbm>> -> memref<10000xi32, #tpu.memory_space<hbm>>
      tpu.enqueue_dma source(%dma_start3A_33 : memref<10000xi32, #tpu.memory_space<hbm>>) target(%arg8 : memref<10000xi32, #tpu.memory_space<vmem>>) target_semaphore(%run_scoped3A : memref<!tpu.dma_semaphore, #tpu.memory_space<semaphore_mem>>)
      %dma_wait3A = tpu.memref_slice %arg4[%mul3A_8] : memref<160000xi32, #tpu.memory_space<hbm>> -> memref<10000xi32, #tpu.memory_space<hbm>>
      %dma_wait3A_34 = tpu.memref_slice %arg4[%mul3A_8] : memref<160000xi32, #tpu.memory_space<hbm>> -> memref<10000xi32, #tpu.memory_space<hbm>>
      tpu.wait_dma2 semaphore(%run_scoped3A : memref<!tpu.dma_semaphore, #tpu.memory_space<semaphore_mem>>) src(%dma_wait3A_34 : memref<10000xi32, #tpu.memory_space<hbm>>) dst(%arg8 : memref<10000xi32, #tpu.memory_space<vmem>>)
      tpu.yield
    }) : () -> ()
    %barrier3A = arith.constant 0 : index
    tpu.barrier barrier_id(%barrier3A)
    %dma_start3A = arith.constant 0 : i32
    %dma_start3A_9 = tpu.memref_slice %arg7[%dma_start3A] : memref<10000xi32, #tpu.memory_space<vmem>> -> memref<80xi32, #tpu.memory_space<vmem>>
    %dma_start3A_10 = arith.constant 0 : i32
    %dma_start3A_11 = arith.constant 0 : i32
    %dma_start3A_12 = tpu.memref_slice %arg2[%arg0, %dma_start3A_10, %dma_start3A_11] : memref<2x10000x128xf32, #tpu.memory_space<hbm>> -> memref<1x10000x128xf32, #tpu.memory_space<hbm>>
    %dma_start3A_13 = tpu.memref_squeeze %dma_start3A_12 : memref<1x10000x128xf32, #tpu.memory_space<hbm>> -> memref<10000x128xf32, #tpu.memory_space<hbm>>
    %dma_start3A_14 = arith.constant 0 : i32
    %dma_start3A_15 = arith.constant 0 : i32
    %dma_start3A_16 = tpu.memref_slice %dma_start3A_13[%dma_start3A_14, %dma_start3A_15] : memref<10000x128xf32, #tpu.memory_space<hbm>> -> memref<10000x128xf32, #tpu.memory_space<hbm>>
    tpu.enqueue_indirect_dma source(%dma_start3A_16 : memref<10000x128xf32, #tpu.memory_space<hbm>>) target(%arg9 : memref<80x128xf32, #tpu.memory_space<vmem>>) offsets(%dma_start3A_9 : memref<80xi32, #tpu.memory_space<vmem>>) semaphore(%arg12 : memref<!tpu.dma_semaphore, #tpu.memory_space<semaphore_mem>>)
    %scan3A = arith.constant 0 : i32
    %scan3A_17 = arith.constant 63 : i32
    %scan3A_18 = arith.addi %scan3A, %scan3A_17 : i32
    %scan3A_19 = arith.constant 1 : i32
    scf.for %scan3A_32 = %scan3A to %scan3A_18 step %scan3A_19  : i32 {
      %mul3A_33 = arith.constant 2 : i32
      %mul3A_34 = arith.muli %scan3A_32, %mul3A_33 : i32
      %add3A = arith.constant 0 : i32
      %add3A_35 = arith.addi %add3A, %mul3A_34 : i32
      %mul3A_36 = arith.constant 80 : i32
      %mul3A_37 = arith.muli %add3A_35, %mul3A_36 : i32
      %dma_wait3A = tpu.memref_slice %arg7[%mul3A_37] : memref<10000xi32, #tpu.memory_space<vmem>> -> memref<80xi32, #tpu.memory_space<vmem>>
      %dma_wait3A_38 = arith.constant 0 : i32
      %dma_wait3A_39 = arith.constant 0 : i32
      %dma_wait3A_40 = tpu.memref_slice %arg2[%arg0, %dma_wait3A_38, %dma_wait3A_39] : memref<2x10000x128xf32, #tpu.memory_space<hbm>> -> memref<1x10000x128xf32, #tpu.memory_space<hbm>>
      %dma_wait3A_41 = tpu.memref_squeeze %dma_wait3A_40 : memref<1x10000x128xf32, #tpu.memory_space<hbm>> -> memref<10000x128xf32, #tpu.memory_space<hbm>>
      %dma_wait3A_42 = arith.constant 0 : i32
      %dma_wait3A_43 = arith.constant 0 : i32
      %dma_wait3A_44 = tpu.memref_slice %dma_wait3A_41[%dma_wait3A_42, %dma_wait3A_43] : memref<10000x128xf32, #tpu.memory_space<hbm>> -> memref<10000x128xf32, #tpu.memory_space<hbm>>
      tpu.wait_indirect_dma semaphore(%arg12 : memref<!tpu.dma_semaphore, #tpu.memory_space<semaphore_mem>>) src(%dma_wait3A_44 : memref<10000x128xf32, #tpu.memory_space<hbm>>) dst(%arg9 : memref<80x128xf32, #tpu.memory_space<vmem>>)
      %add3A_45 = arith.constant 1 : i32
      %add3A_46 = arith.addi %add3A_35, %add3A_45 : i32
      %lt3A_47 = arith.constant 125 : i32
      %lt3A_48 = arith.cmpi slt, %add3A_46, %lt3A_47 : i32
      %convert_element_type3A_49 = arith.extui %lt3A_48 : i1 to i32
      %cond3A_50 = arith.constant 0 : i32
      %cond3A_51 = arith.cmpi ne, %convert_element_type3A_49, %cond3A_50 : i32
      scf.if %cond3A_51 {
        %mul3A_61 = arith.constant 80 : i32
        %mul3A_62 = arith.muli %add3A_46, %mul3A_61 : i32
        %dma_start3A_63 = tpu.memref_slice %arg7[%mul3A_62] : memref<10000xi32, #tpu.memory_space<vmem>> -> memref<80xi32, #tpu.memory_space<vmem>>
        %dma_start3A_64 = arith.constant 0 : i32
        %dma_start3A_65 = arith.constant 0 : i32
        %dma_start3A_66 = tpu.memref_slice %arg2[%arg0, %dma_start3A_64, %dma_start3A_65] : memref<2x10000x128xf32, #tpu.memory_space<hbm>> -> memref<1x10000x128xf32, #tpu.memory_space<hbm>>
        %dma_start3A_67 = tpu.memref_squeeze %dma_start3A_66 : memref<1x10000x128xf32, #tpu.memory_space<hbm>> -> memref<10000x128xf32, #tpu.memory_space<hbm>>
        %dma_start3A_68 = arith.constant 0 : i32
        %dma_start3A_69 = arith.constant 0 : i32
        %dma_start3A_70 = tpu.memref_slice %dma_start3A_67[%dma_start3A_68, %dma_start3A_69] : memref<10000x128xf32, #tpu.memory_space<hbm>> -> memref<10000x128xf32, #tpu.memory_space<hbm>>
        tpu.enqueue_indirect_dma source(%dma_start3A_70 : memref<10000x128xf32, #tpu.memory_space<hbm>>) target(%arg10 : memref<80x128xf32, #tpu.memory_space<vmem>>) offsets(%dma_start3A_63 : memref<80xi32, #tpu.memory_space<vmem>>) semaphore(%arg13 : memref<!tpu.dma_semaphore, #tpu.memory_space<semaphore_mem>>)
      } else {
      }
      %mul3A_52 = arith.constant 80 : i32
      %mul3A_53 = arith.muli %add3A_35, %mul3A_52 : i32
      "tpu.region"() ({
        %run_scoped3A = tpu.sem_alloc : memref<!tpu.dma_semaphore, #tpu.memory_space<semaphore_mem>>
        %dma_start3A_61 = tpu.memref_slice %arg8[%mul3A_53] : memref<10000xi32, #tpu.memory_space<vmem>> -> memref<80xi32, #tpu.memory_space<vmem>>
        %dma_start3A_62 = arith.constant 0 : i32
        %dma_start3A_63 = arith.constant 0 : i32
        %dma_start3A_64 = tpu.memref_slice %arg11[%dma_start3A_62, %dma_start3A_63] : memref<10000x128xf32, #tpu.memory_space<vmem_shared>> -> memref<10000x128xf32, #tpu.memory_space<vmem_shared>>
        tpu.enqueue_indirect_dma source(%arg9 : memref<80x128xf32, #tpu.memory_space<vmem>>) target(%dma_start3A_64 : memref<10000x128xf32, #tpu.memory_space<vmem_shared>>) offsets(%dma_start3A_61 : memref<80xi32, #tpu.memory_space<vmem>>) semaphore(%run_scoped3A : memref<!tpu.dma_semaphore, #tpu.memory_space<semaphore_mem>>) {add = true}
        %dma_wait3A_65 = tpu.memref_slice %arg8[%mul3A_53] : memref<10000xi32, #tpu.memory_space<vmem>> -> memref<80xi32, #tpu.memory_space<vmem>>
        %dma_wait3A_66 = arith.constant 0 : i32
        %dma_wait3A_67 = arith.constant 0 : i32
        %dma_wait3A_68 = tpu.memref_slice %arg11[%dma_wait3A_66, %dma_wait3A_67] : memref<10000x128xf32, #tpu.memory_space<vmem_shared>> -> memref<10000x128xf32, #tpu.memory_space<vmem_shared>>
        tpu.wait_indirect_dma semaphore(%run_scoped3A : memref<!tpu.dma_semaphore, #tpu.memory_space<semaphore_mem>>) src(%arg9 : memref<80x128xf32, #tpu.memory_space<vmem>>) dst(%dma_wait3A_68 : memref<10000x128xf32, #tpu.memory_space<vmem_shared>>)
        tpu.yield
      }) : () -> ()
      %add3A_54 = arith.constant 1 : i32
      %add3A_55 = arith.addi %add3A_35, %add3A_54 : i32
      %lt3A_56 = arith.constant 125 : i32
      %lt3A_57 = arith.cmpi slt, %add3A_55, %lt3A_56 : i32
      %convert_element_type3A_58 = arith.extui %lt3A_57 : i1 to i32
      %cond3A_59 = arith.constant 0 : i32
      %cond3A_60 = arith.cmpi ne, %convert_element_type3A_58, %cond3A_59 : i32
      scf.if %cond3A_60 {
        %add3A_61 = arith.constant 1 : i32
        %add3A_62 = arith.addi %add3A_35, %add3A_61 : i32
        %mul3A_63 = arith.constant 80 : i32
        %mul3A_64 = arith.muli %add3A_62, %mul3A_63 : i32
        %dma_wait3A_65 = tpu.memref_slice %arg7[%mul3A_64] : memref<10000xi32, #tpu.memory_space<vmem>> -> memref<80xi32, #tpu.memory_space<vmem>>
        %dma_wait3A_66 = arith.constant 0 : i32
        %dma_wait3A_67 = arith.constant 0 : i32
        %dma_wait3A_68 = tpu.memref_slice %arg2[%arg0, %dma_wait3A_66, %dma_wait3A_67] : memref<2x10000x128xf32, #tpu.memory_space<hbm>> -> memref<1x10000x128xf32, #tpu.memory_space<hbm>>
        %dma_wait3A_69 = tpu.memref_squeeze %dma_wait3A_68 : memref<1x10000x128xf32, #tpu.memory_space<hbm>> -> memref<10000x128xf32, #tpu.memory_space<hbm>>
        %dma_wait3A_70 = arith.constant 0 : i32
        %dma_wait3A_71 = arith.constant 0 : i32
        %dma_wait3A_72 = tpu.memref_slice %dma_wait3A_69[%dma_wait3A_70, %dma_wait3A_71] : memref<10000x128xf32, #tpu.memory_space<hbm>> -> memref<10000x128xf32, #tpu.memory_space<hbm>>
        tpu.wait_indirect_dma semaphore(%arg13 : memref<!tpu.dma_semaphore, #tpu.memory_space<semaphore_mem>>) src(%dma_wait3A_72 : memref<10000x128xf32, #tpu.memory_space<hbm>>) dst(%arg10 : memref<80x128xf32, #tpu.memory_space<vmem>>)
        %add3A_73 = arith.constant 2 : i32
        %add3A_74 = arith.addi %add3A_35, %add3A_73 : i32
        %lt3A_75 = arith.constant 125 : i32
        %lt3A_76 = arith.cmpi slt, %add3A_74, %lt3A_75 : i32
        %convert_element_type3A_77 = arith.extui %lt3A_76 : i1 to i32
        %cond3A_78 = arith.constant 0 : i32
        %cond3A_79 = arith.cmpi ne, %convert_element_type3A_77, %cond3A_78 : i32
        scf.if %cond3A_79 {
          %mul3A_84 = arith.constant 80 : i32
          %mul3A_85 = arith.muli %add3A_74, %mul3A_84 : i32
          %dma_start3A_86 = tpu.memref_slice %arg7[%mul3A_85] : memref<10000xi32, #tpu.memory_space<vmem>> -> memref<80xi32, #tpu.memory_space<vmem>>
          %dma_start3A_87 = arith.constant 0 : i32
          %dma_start3A_88 = arith.constant 0 : i32
          %dma_start3A_89 = tpu.memref_slice %arg2[%arg0, %dma_start3A_87, %dma_start3A_88] : memref<2x10000x128xf32, #tpu.memory_space<hbm>> -> memref<1x10000x128xf32, #tpu.memory_space<hbm>>
          %dma_start3A_90 = tpu.memref_squeeze %dma_start3A_89 : memref<1x10000x128xf32, #tpu.memory_space<hbm>> -> memref<10000x128xf32, #tpu.memory_space<hbm>>
          %dma_start3A_91 = arith.constant 0 : i32
          %dma_start3A_92 = arith.constant 0 : i32
          %dma_start3A_93 = tpu.memref_slice %dma_start3A_90[%dma_start3A_91, %dma_start3A_92] : memref<10000x128xf32, #tpu.memory_space<hbm>> -> memref<10000x128xf32, #tpu.memory_space<hbm>>
          tpu.enqueue_indirect_dma source(%dma_start3A_93 : memref<10000x128xf32, #tpu.memory_space<hbm>>) target(%arg9 : memref<80x128xf32, #tpu.memory_space<vmem>>) offsets(%dma_start3A_86 : memref<80xi32, #tpu.memory_space<vmem>>) semaphore(%arg12 : memref<!tpu.dma_semaphore, #tpu.memory_space<semaphore_mem>>)
        } else {
        }
        %add3A_80 = arith.constant 1 : i32
        %add3A_81 = arith.addi %add3A_35, %add3A_80 : i32
        %mul3A_82 = arith.constant 80 : i32
        %mul3A_83 = arith.muli %add3A_81, %mul3A_82 : i32
        "tpu.region"() ({
          %run_scoped3A = tpu.sem_alloc : memref<!tpu.dma_semaphore, #tpu.memory_space<semaphore_mem>>
          %dma_start3A_84 = tpu.memref_slice %arg8[%mul3A_83] : memref<10000xi32, #tpu.memory_space<vmem>> -> memref<80xi32, #tpu.memory_space<vmem>>
          %dma_start3A_85 = arith.constant 0 : i32
          %dma_start3A_86 = arith.constant 0 : i32
          %dma_start3A_87 = tpu.memref_slice %arg11[%dma_start3A_85, %dma_start3A_86] : memref<10000x128xf32, #tpu.memory_space<vmem_shared>> -> memref<10000x128xf32, #tpu.memory_space<vmem_shared>>
          tpu.enqueue_indirect_dma source(%arg10 : memref<80x128xf32, #tpu.memory_space<vmem>>) target(%dma_start3A_87 : memref<10000x128xf32, #tpu.memory_space<vmem_shared>>) offsets(%dma_start3A_84 : memref<80xi32, #tpu.memory_space<vmem>>) semaphore(%run_scoped3A : memref<!tpu.dma_semaphore, #tpu.memory_space<semaphore_mem>>) {add = true}
          %dma_wait3A_88 = tpu.memref_slice %arg8[%mul3A_83] : memref<10000xi32, #tpu.memory_space<vmem>> -> memref<80xi32, #tpu.memory_space<vmem>>
          %dma_wait3A_89 = arith.constant 0 : i32
          %dma_wait3A_90 = arith.constant 0 : i32
          %dma_wait3A_91 = tpu.memref_slice %arg11[%dma_wait3A_89, %dma_wait3A_90] : memref<10000x128xf32, #tpu.memory_space<vmem_shared>> -> memref<10000x128xf32, #tpu.memory_space<vmem_shared>>
          tpu.wait_indirect_dma semaphore(%run_scoped3A : memref<!tpu.dma_semaphore, #tpu.memory_space<semaphore_mem>>) src(%arg10 : memref<80x128xf32, #tpu.memory_space<vmem>>) dst(%dma_wait3A_91 : memref<10000x128xf32, #tpu.memory_space<vmem_shared>>)
          tpu.yield
        }) : () -> ()
      } else {
      }
    }
    %scan3A_20 = arith.constant 63 : i32
    %barrier3A_21 = arith.constant 0 : index
    tpu.barrier barrier_id(%barrier3A_21)
    %lt3A_22 = arith.constant 15 : i32
    %lt3A_23 = arith.cmpi slt, %arg1, %lt3A_22 : i32
    %convert_element_type3A_24 = arith.extui %lt3A_23 : i1 to i32
    %cond3A_25 = arith.constant 0 : i32
    %cond3A_26 = arith.cmpi ne, %convert_element_type3A_24, %cond3A_25 : i32
    scf.if %cond3A_26 {
      %mul3A_32 = arith.constant 624 : i32
      %mul3A_33 = arith.muli %arg1, %mul3A_32 : i32
      %mul3A_34 = arith.constant 624 : i32
      %mul3A_35 = arith.muli %arg1, %mul3A_34 : i32
      "tpu.region"() ({
        %run_scoped3A = tpu.sem_alloc : memref<!tpu.dma_semaphore, #tpu.memory_space<semaphore_mem>>
        %dma_start3A_36 = arith.constant 0 : i32
        %dma_start3A_37 = tpu.memref_slice %arg6[%arg0, %mul3A_35, %dma_start3A_36] : memref<2x10000x128xf32, #tpu.memory_space<hbm>> -> memref<1x624x128xf32, #tpu.memory_space<hbm>>
        %dma_start3A_38 = tpu.memref_squeeze %dma_start3A_37 : memref<1x624x128xf32, #tpu.memory_space<hbm>> -> memref<624x128xf32, #tpu.memory_space<hbm>>
        %dma_start3A_39 = arith.constant 0 : i32
        %dma_start3A_40 = tpu.memref_slice %arg11[%mul3A_33, %dma_start3A_39] : memref<10000x128xf32, #tpu.memory_space<vmem_shared>> -> memref<624x128xf32, #tpu.memory_space<vmem_shared>>
        tpu.enqueue_dma source(%dma_start3A_40 : memref<624x128xf32, #tpu.memory_space<vmem_shared>>) target(%dma_start3A_38 : memref<624x128xf32, #tpu.memory_space<hbm>>) target_semaphore(%run_scoped3A : memref<!tpu.dma_semaphore, #tpu.memory_space<semaphore_mem>>)
        %dma_wait3A = arith.constant 0 : i32
        %dma_wait3A_41 = tpu.memref_slice %arg6[%arg0, %mul3A_35, %dma_wait3A] : memref<2x10000x128xf32, #tpu.memory_space<hbm>> -> memref<1x624x128xf32, #tpu.memory_space<hbm>>
        %dma_wait3A_42 = tpu.memref_squeeze %dma_wait3A_41 : memref<1x624x128xf32, #tpu.memory_space<hbm>> -> memref<624x128xf32, #tpu.memory_space<hbm>>
        %dma_wait3A_43 = arith.constant 0 : i32
        %dma_wait3A_44 = tpu.memref_slice %arg11[%mul3A_33, %dma_wait3A_43] : memref<10000x128xf32, #tpu.memory_space<vmem_shared>> -> memref<624x128xf32, #tpu.memory_space<vmem_shared>>
        tpu.wait_dma2 semaphore(%run_scoped3A : memref<!tpu.dma_semaphore, #tpu.memory_space<semaphore_mem>>) src(%dma_wait3A_44 : memref<624x128xf32, #tpu.memory_space<vmem_shared>>) dst(%dma_wait3A_42 : memref<624x128xf32, #tpu.memory_space<hbm>>)
        tpu.yield
      }) : () -> ()
    } else {
    }
    %eq3A_27 = arith.constant 15 : i32
    %eq3A_28 = arith.cmpi eq, %arg1, %eq3A_27 : i32
    %convert_element_type3A_29 = arith.extui %eq3A_28 : i1 to i32
    %cond3A_30 = arith.constant 0 : i32
    %cond3A_31 = arith.cmpi ne, %convert_element_type3A_29, %cond3A_30 : i32
    scf.if %cond3A_31 {
      "tpu.region"() ({
        %run_scoped3A = tpu.sem_alloc : memref<!tpu.dma_semaphore, #tpu.memory_space<semaphore_mem>>
        %dma_start3A_32 = arith.constant 9360 : i32
        %dma_start3A_33 = arith.constant 0 : i32
        %dma_start3A_34 = tpu.memref_slice %arg6[%arg0, %dma_start3A_32, %dma_start3A_33] : memref<2x10000x128xf32, #tpu.memory_space<hbm>> -> memref<1x640x128xf32, #tpu.memory_space<hbm>>
        %dma_start3A_35 = tpu.memref_squeeze %dma_start3A_34 : memref<1x640x128xf32, #tpu.memory_space<hbm>> -> memref<640x128xf32, #tpu.memory_space<hbm>>
        %dma_start3A_36 = arith.constant 9360 : i32
        %dma_start3A_37 = arith.constant 0 : i32
        %dma_start3A_38 = tpu.memref_slice %arg11[%dma_start3A_36, %dma_start3A_37] : memref<10000x128xf32, #tpu.memory_space<vmem_shared>> -> memref<640x128xf32, #tpu.memory_space<vmem_shared>>
        tpu.enqueue_dma source(%dma_start3A_38 : memref<640x128xf32, #tpu.memory_space<vmem_shared>>) target(%dma_start3A_35 : memref<640x128xf32, #tpu.memory_space<hbm>>) target_semaphore(%run_scoped3A : memref<!tpu.dma_semaphore, #tpu.memory_space<semaphore_mem>>)
        %dma_wait3A = arith.constant 9360 : i32
        %dma_wait3A_39 = arith.constant 0 : i32
        %dma_wait3A_40 = tpu.memref_slice %arg6[%arg0, %dma_wait3A, %dma_wait3A_39] : memref<2x10000x128xf32, #tpu.memory_space<hbm>> -> memref<1x640x128xf32, #tpu.memory_space<hbm>>
        %dma_wait3A_41 = tpu.memref_squeeze %dma_wait3A_40 : memref<1x640x128xf32, #tpu.memory_space<hbm>> -> memref<640x128xf32, #tpu.memory_space<hbm>>
        %dma_wait3A_42 = arith.constant 9360 : i32
        %dma_wait3A_43 = arith.constant 0 : i32
        %dma_wait3A_44 = tpu.memref_slice %arg11[%dma_wait3A_42, %dma_wait3A_43] : memref<10000x128xf32, #tpu.memory_space<vmem_shared>> -> memref<640x128xf32, #tpu.memory_space<vmem_shared>>
        tpu.wait_dma2 semaphore(%run_scoped3A : memref<!tpu.dma_semaphore, #tpu.memory_space<semaphore_mem>>) src(%dma_wait3A_44 : memref<640x128xf32, #tpu.memory_space<vmem_shared>>) dst(%dma_wait3A_41 : memref<640x128xf32, #tpu.memory_space<hbm>>)
        tpu.yield
      }) : () -> ()
    } else {
    }
    return
  }
}

#map = affine_map<(d0, d1) -> (0)>
module attributes {stable_mosaic.version = 14 : i64} {
  func.func @_sc_deg_body(%arg0: i32, %arg1: i32, %arg2: memref<160000xi32, #tpu.memory_space<hbm>>, %arg3: memref<320000xf32, #tpu.memory_space<hbm>>, %arg4: memref<5008xi32, #tpu.memory_space<vmem>>, %arg5: memref<10000xf32, #tpu.memory_space<vmem>>) attributes {dimension_semantics = [#tpu.dimension_semantics<core_parallel>, #tpu.dimension_semantics<subcore_parallel>], iteration_bounds = array<i64: 2, 16>, scalar_prefetch = 0 : i64, scratch_operands = 2 : i64, tpu.core_type = #tpu.core_type<sc_vector_subcore>, window_params = [{transform_indices = #map}, {transform_indices = #map}]} {
    %mul3A = arith.constant 2 : i32
    %mul3A_0 = arith.muli %arg1, %mul3A : i32
    %add3A = arith.addi %mul3A_0, %arg0 : i32
    %broadcast_in_dim3A = arith.constant 0.000000e+00 : f32
    %broadcast_in_dim3A_1 = vector.broadcast %broadcast_in_dim3A : f32 to vector<16xf32>
    %scan3A = arith.constant 0 : i32
    %scan3A_2 = arith.constant 625 : i32
    %scan3A_3 = arith.addi %scan3A, %scan3A_2 : i32
    %scan3A_4 = arith.constant 1 : i32
    scf.for %scan3A_23 = %scan3A to %scan3A_3 step %scan3A_4  : i32 {
      %mul3A_24 = arith.constant 1 : i32
      %mul3A_25 = arith.muli %scan3A_23, %mul3A_24 : i32
      %add3A_26 = arith.constant 0 : i32
      %add3A_27 = arith.addi %add3A_26, %mul3A_25 : i32
      %mul3A_28 = arith.constant 16 : i32
      %mul3A_29 = arith.muli %add3A_27, %mul3A_28 : i32
      %swap3A_30 = arith.index_cast %mul3A_29 : i32 to index
      %swap3A_31 = tpu.vector_load %arg5[%swap3A_30] {strides = array<i32>} : memref<10000xf32, #tpu.memory_space<vmem>>, vector<16xf32>,
      tpu.vector_store %arg5[%swap3A_30], %broadcast_in_dim3A_1 {strides = array<i32>} : memref<10000xf32, #tpu.memory_space<vmem>>, vector<16xf32>,
    }
    %scan3A_5 = arith.constant 625 : i32
    %broadcast_in_dim3A_6 = arith.constant 0 : i32
    %broadcast_in_dim3A_7 = vector.broadcast %broadcast_in_dim3A_6 : i32 to vector<16xi32>
    %swap3A = arith.constant 4992 : index
    %swap3A_8 = tpu.vector_load %arg4[%swap3A] {strides = array<i32>} : memref<5008xi32, #tpu.memory_space<vmem>>, vector<16xi32>,
    tpu.vector_store %arg4[%swap3A], %broadcast_in_dim3A_7 {strides = array<i32>} : memref<5008xi32, #tpu.memory_space<vmem>>, vector<16xi32>,
    %mul3A_9 = arith.constant 5000 : i32
    %mul3A_10 = arith.muli %add3A, %mul3A_9 : i32
    "tpu.region"() ({
      %run_scoped3A = tpu.sem_alloc : memref<!tpu.dma_semaphore, #tpu.memory_space<semaphore_mem>>
      %dma_start3A = arith.constant 0 : i32
      %dma_start3A_23 = tpu.memref_slice %arg4[%dma_start3A] : memref<5008xi32, #tpu.memory_space<vmem>> -> memref<5000xi32, #tpu.memory_space<vmem>>
      %dma_start3A_24 = tpu.memref_slice %arg2[%mul3A_10] : memref<160000xi32, #tpu.memory_space<hbm>> -> memref<5000xi32, #tpu.memory_space<hbm>>
      %dma_start3A_25 = arith.constant 0 : i32
      %dma_start3A_26 = tpu.memref_slice %arg4[%dma_start3A_25] : memref<5008xi32, #tpu.memory_space<vmem>> -> memref<5000xi32, #tpu.memory_space<vmem>>
      %dma_start3A_27 = tpu.memref_slice %arg2[%mul3A_10] : memref<160000xi32, #tpu.memory_space<hbm>> -> memref<5000xi32, #tpu.memory_space<hbm>>
      tpu.enqueue_dma source(%dma_start3A_27 : memref<5000xi32, #tpu.memory_space<hbm>>) target(%dma_start3A_26 : memref<5000xi32, #tpu.memory_space<vmem>>) target_semaphore(%run_scoped3A : memref<!tpu.dma_semaphore, #tpu.memory_space<semaphore_mem>>)
      %dma_wait3A = arith.constant 0 : i32
      %dma_wait3A_28 = tpu.memref_slice %arg4[%dma_wait3A] : memref<5008xi32, #tpu.memory_space<vmem>> -> memref<5000xi32, #tpu.memory_space<vmem>>
      %dma_wait3A_29 = tpu.memref_slice %arg2[%mul3A_10] : memref<160000xi32, #tpu.memory_space<hbm>> -> memref<5000xi32, #tpu.memory_space<hbm>>
      %dma_wait3A_30 = arith.constant 0 : i32
      %dma_wait3A_31 = tpu.memref_slice %arg4[%dma_wait3A_30] : memref<5008xi32, #tpu.memory_space<vmem>> -> memref<5000xi32, #tpu.memory_space<vmem>>
      %dma_wait3A_32 = tpu.memref_slice %arg2[%mul3A_10] : memref<160000xi32, #tpu.memory_space<hbm>> -> memref<5000xi32, #tpu.memory_space<hbm>>
      tpu.wait_dma2 semaphore(%run_scoped3A : memref<!tpu.dma_semaphore, #tpu.memory_space<semaphore_mem>>) src(%dma_wait3A_32 : memref<5000xi32, #tpu.memory_space<hbm>>) dst(%dma_wait3A_31 : memref<5000xi32, #tpu.memory_space<vmem>>)
      tpu.yield
    }) : () -> ()
    %broadcast_in_dim3A_11 = arith.constant 1.000000e+00 : f32
    %broadcast_in_dim3A_12 = vector.broadcast %broadcast_in_dim3A_11 : f32 to vector<16xf32>
    %scan3A_13 = arith.constant 0 : i32
    %scan3A_14 = arith.constant 312 : i32
    %scan3A_15 = arith.addi %scan3A_13, %scan3A_14 : i32
    %scan3A_16 = arith.constant 1 : i32
    scf.for %scan3A_23 = %scan3A_13 to %scan3A_15 step %scan3A_16  : i32 {
      %mul3A_24 = arith.constant 1 : i32
      %mul3A_25 = arith.muli %scan3A_23, %mul3A_24 : i32
      %add3A_26 = arith.constant 0 : i32
      %add3A_27 = arith.addi %add3A_26, %mul3A_25 : i32
      %mul3A_28 = arith.constant 16 : i32
      %mul3A_29 = arith.muli %add3A_27, %mul3A_28 : i32
      %get3A_30 = arith.index_cast %mul3A_29 : i32 to index
      %get3A_31 = tpu.vector_load %arg4[%get3A_30] {strides = array<i32>} : memref<5008xi32, #tpu.memory_space<vmem>>, vector<16xi32>,
      tpu.vector_store_idx %arg5[%get3A_31], %broadcast_in_dim3A_12 {add = true} : memref<10000xf32, #tpu.memory_space<vmem>>[vector<16xi32>], vector<16xf32>,
    }
    %scan3A_17 = arith.constant 312 : i32
    %get3A = arith.constant 4992 : index
    %get3A_18 = tpu.vector_load %arg4[%get3A] {strides = array<i32>} : memref<5008xi32, #tpu.memory_space<vmem>>, vector<16xi32>,
    %iota3A = tpu.iota {dimensions = array<i32: 0>} : vector<16xi32>
    %lt3A = arith.constant 8 : i32
    %lt3A_19 = vector.broadcast %lt3A : i32 to vector<16xi32>
    %lt3A_20 = arith.cmpi slt, %iota3A, %lt3A_19 : vector<16xi32>
    tpu.vector_store_idx %arg5[%get3A_18], %broadcast_in_dim3A_12 masked %lt3A_20 {add = true} : memref<10000xf32, #tpu.memory_space<vmem>>[vector<16xi32>], vector<16xf32>, vector<16xi1>
    %mul3A_21 = arith.constant 10000 : i32
    %mul3A_22 = arith.muli %add3A, %mul3A_21 : i32
    "tpu.region"() ({
      %run_scoped3A = tpu.sem_alloc : memref<!tpu.dma_semaphore, #tpu.memory_space<semaphore_mem>>
      %dma_start3A = tpu.memref_slice %arg3[%mul3A_22] : memref<320000xf32, #tpu.memory_space<hbm>> -> memref<10000xf32, #tpu.memory_space<hbm>>
      %dma_start3A_23 = tpu.memref_slice %arg3[%mul3A_22] : memref<320000xf32, #tpu.memory_space<hbm>> -> memref<10000xf32, #tpu.memory_space<hbm>>
      tpu.enqueue_dma source(%arg5 : memref<10000xf32, #tpu.memory_space<vmem>>) target(%dma_start3A_23 : memref<10000xf32, #tpu.memory_space<hbm>>) target_semaphore(%run_scoped3A : memref<!tpu.dma_semaphore, #tpu.memory_space<semaphore_mem>>)
      %dma_wait3A = tpu.memref_slice %arg3[%mul3A_22] : memref<320000xf32, #tpu.memory_space<hbm>> -> memref<10000xf32, #tpu.memory_space<hbm>>
      %dma_wait3A_24 = tpu.memref_slice %arg3[%mul3A_22] : memref<320000xf32, #tpu.memory_space<hbm>> -> memref<10000xf32, #tpu.memory_space<hbm>>
      tpu.wait_dma2 semaphore(%run_scoped3A : memref<!tpu.dma_semaphore, #tpu.memory_space<semaphore_mem>>) src(%arg5 : memref<10000xf32, #tpu.memory_space<vmem>>) dst(%dma_wait3A_24 : memref<10000xf32, #tpu.memory_space<hbm>>)
      tpu.yield
    }) : () -> ()
    return
  }
}

#map = affine_map<(d0, d1) -> (0, 0, 0)>
#map1 = affine_map<(d0, d1) -> (0)>
#map2 = affine_map<(d0, d1) -> (0, 0)>
module attributes {stable_mosaic.version = 14 : i64} {
  func.func @_sc_agg_body(%arg0: i32, %arg1: i32, %arg2: memref<2x10000x128xf32, #tpu.memory_space<hbm>>, %arg3: memref<160000xi32, #tpu.memory_space<hbm>>, %arg4: memref<160000xi32, #tpu.memory_space<hbm>>, %arg5: memref<10000x128xf32, #tpu.memory_space<hbm>>, %arg6: memref<2x10000x128xf32, #tpu.memory_space<hbm>>, %arg7: memref<10000xi32, #tpu.memory_space<vmem>>, %arg8: memref<10000xi32, #tpu.memory_space<vmem>>, %arg9: memref<80x128xf32, #tpu.memory_space<vmem>>, %arg10: memref<80x128xf32, #tpu.memory_space<vmem>>, %arg11: memref<10000x128xf32, #tpu.memory_space<vmem_shared>>, %arg12: memref<!tpu.dma_semaphore, #tpu.memory_space<semaphore_mem>>, %arg13: memref<!tpu.dma_semaphore, #tpu.memory_space<semaphore_mem>>) attributes {dimension_semantics = [#tpu.dimension_semantics<core_parallel>, #tpu.dimension_semantics<subcore_parallel>], iteration_bounds = array<i64: 2, 16>, scalar_prefetch = 0 : i64, scratch_operands = 7 : i64, tpu.core_type = #tpu.core_type<sc_vector_subcore>, window_params = [{transform_indices = #map}, {transform_indices = #map1}, {transform_indices = #map1}, {transform_indices = #map2}, {transform_indices = #map}]} {
    %lt3A = arith.constant 15 : i32
    %lt3A_0 = arith.cmpi slt, %arg1, %lt3A : i32
    %convert_element_type3A = arith.extui %lt3A_0 : i1 to i32
    %cond3A = arith.constant 0 : i32
    %cond3A_1 = arith.cmpi ne, %convert_element_type3A, %cond3A : i32
    scf.if %cond3A_1 {
      %mul3A_32 = arith.constant 624 : i32
      %mul3A_33 = arith.muli %arg1, %mul3A_32 : i32
      %mul3A_34 = arith.constant 624 : i32
      %mul3A_35 = arith.muli %arg1, %mul3A_34 : i32
      "tpu.region"() ({
        %run_scoped3A = tpu.sem_alloc : memref<!tpu.dma_semaphore, #tpu.memory_space<semaphore_mem>>
        %dma_start3A_36 = arith.constant 0 : i32
        %dma_start3A_37 = tpu.memref_slice %arg11[%mul3A_35, %dma_start3A_36] : memref<10000x128xf32, #tpu.memory_space<vmem_shared>> -> memref<624x128xf32, #tpu.memory_space<vmem_shared>>
        %dma_start3A_38 = arith.constant 0 : i32
        %dma_start3A_39 = tpu.memref_slice %arg5[%mul3A_33, %dma_start3A_38] : memref<10000x128xf32, #tpu.memory_space<hbm>> -> memref<624x128xf32, #tpu.memory_space<hbm>>
        tpu.enqueue_dma source(%dma_start3A_39 : memref<624x128xf32, #tpu.memory_space<hbm>>) target(%dma_start3A_37 : memref<624x128xf32, #tpu.memory_space<vmem_shared>>) target_semaphore(%run_scoped3A : memref<!tpu.dma_semaphore, #tpu.memory_space<semaphore_mem>>)
        %dma_wait3A = arith.constant 0 : i32
        %dma_wait3A_40 = tpu.memref_slice %arg11[%mul3A_35, %dma_wait3A] : memref<10000x128xf32, #tpu.memory_space<vmem_shared>> -> memref<624x128xf32, #tpu.memory_space<vmem_shared>>
        %dma_wait3A_41 = arith.constant 0 : i32
        %dma_wait3A_42 = tpu.memref_slice %arg5[%mul3A_33, %dma_wait3A_41] : memref<10000x128xf32, #tpu.memory_space<hbm>> -> memref<624x128xf32, #tpu.memory_space<hbm>>
        tpu.wait_dma2 semaphore(%run_scoped3A : memref<!tpu.dma_semaphore, #tpu.memory_space<semaphore_mem>>) src(%dma_wait3A_42 : memref<624x128xf32, #tpu.memory_space<hbm>>) dst(%dma_wait3A_40 : memref<624x128xf32, #tpu.memory_space<vmem_shared>>)
        tpu.yield
      }) : () -> ()
    } else {
    }
    %eq3A = arith.constant 15 : i32
    %eq3A_2 = arith.cmpi eq, %arg1, %eq3A : i32
    %convert_element_type3A_3 = arith.extui %eq3A_2 : i1 to i32
    %cond3A_4 = arith.constant 0 : i32
    %cond3A_5 = arith.cmpi ne, %convert_element_type3A_3, %cond3A_4 : i32
    scf.if %cond3A_5 {
      "tpu.region"() ({
        %run_scoped3A = tpu.sem_alloc : memref<!tpu.dma_semaphore, #tpu.memory_space<semaphore_mem>>
        %dma_start3A_32 = arith.constant 9360 : i32
        %dma_start3A_33 = arith.constant 0 : i32
        %dma_start3A_34 = tpu.memref_slice %arg11[%dma_start3A_32, %dma_start3A_33] : memref<10000x128xf32, #tpu.memory_space<vmem_shared>> -> memref<640x128xf32, #tpu.memory_space<vmem_shared>>
        %dma_start3A_35 = arith.constant 9360 : i32
        %dma_start3A_36 = arith.constant 0 : i32
        %dma_start3A_37 = tpu.memref_slice %arg5[%dma_start3A_35, %dma_start3A_36] : memref<10000x128xf32, #tpu.memory_space<hbm>> -> memref<640x128xf32, #tpu.memory_space<hbm>>
        tpu.enqueue_dma source(%dma_start3A_37 : memref<640x128xf32, #tpu.memory_space<hbm>>) target(%dma_start3A_34 : memref<640x128xf32, #tpu.memory_space<vmem_shared>>) target_semaphore(%run_scoped3A : memref<!tpu.dma_semaphore, #tpu.memory_space<semaphore_mem>>)
        %dma_wait3A = arith.constant 9360 : i32
        %dma_wait3A_38 = arith.constant 0 : i32
        %dma_wait3A_39 = tpu.memref_slice %arg11[%dma_wait3A, %dma_wait3A_38] : memref<10000x128xf32, #tpu.memory_space<vmem_shared>> -> memref<640x128xf32, #tpu.memory_space<vmem_shared>>
        %dma_wait3A_40 = arith.constant 9360 : i32
        %dma_wait3A_41 = arith.constant 0 : i32
        %dma_wait3A_42 = tpu.memref_slice %arg5[%dma_wait3A_40, %dma_wait3A_41] : memref<10000x128xf32, #tpu.memory_space<hbm>> -> memref<640x128xf32, #tpu.memory_space<hbm>>
        tpu.wait_dma2 semaphore(%run_scoped3A : memref<!tpu.dma_semaphore, #tpu.memory_space<semaphore_mem>>) src(%dma_wait3A_42 : memref<640x128xf32, #tpu.memory_space<hbm>>) dst(%dma_wait3A_39 : memref<640x128xf32, #tpu.memory_space<vmem_shared>>)
        tpu.yield
      }) : () -> ()
    } else {
    }
    %mul3A = arith.constant 10000 : i32
    %mul3A_6 = arith.muli %arg1, %mul3A : i32
    "tpu.region"() ({
      %run_scoped3A = tpu.sem_alloc : memref<!tpu.dma_semaphore, #tpu.memory_space<semaphore_mem>>
      %dma_start3A_32 = tpu.memref_slice %arg3[%mul3A_6] : memref<160000xi32, #tpu.memory_space<hbm>> -> memref<10000xi32, #tpu.memory_space<hbm>>
      %dma_start3A_33 = tpu.memref_slice %arg3[%mul3A_6] : memref<160000xi32, #tpu.memory_space<hbm>> -> memref<10000xi32, #tpu.memory_space<hbm>>
      tpu.enqueue_dma source(%dma_start3A_33 : memref<10000xi32, #tpu.memory_space<hbm>>) target(%arg7 : memref<10000xi32, #tpu.memory_space<vmem>>) target_semaphore(%run_scoped3A : memref<!tpu.dma_semaphore, #tpu.memory_space<semaphore_mem>>)
      %dma_wait3A = tpu.memref_slice %arg3[%mul3A_6] : memref<160000xi32, #tpu.memory_space<hbm>> -> memref<10000xi32, #tpu.memory_space<hbm>>
      %dma_wait3A_34 = tpu.memref_slice %arg3[%mul3A_6] : memref<160000xi32, #tpu.memory_space<hbm>> -> memref<10000xi32, #tpu.memory_space<hbm>>
      tpu.wait_dma2 semaphore(%run_scoped3A : memref<!tpu.dma_semaphore, #tpu.memory_space<semaphore_mem>>) src(%dma_wait3A_34 : memref<10000xi32, #tpu.memory_space<hbm>>) dst(%arg7 : memref<10000xi32, #tpu.memory_space<vmem>>)
      tpu.yield
    }) : () -> ()
    %mul3A_7 = arith.constant 10000 : i32
    %mul3A_8 = arith.muli %arg1, %mul3A_7 : i32
    "tpu.region"() ({
      %run_scoped3A = tpu.sem_alloc : memref<!tpu.dma_semaphore, #tpu.memory_space<semaphore_mem>>
      %dma_start3A_32 = tpu.memref_slice %arg4[%mul3A_8] : memref<160000xi32, #tpu.memory_space<hbm>> -> memref<10000xi32, #tpu.memory_space<hbm>>
      %dma_start3A_33 = tpu.memref_slice %arg4[%mul3A_8] : memref<160000xi32, #tpu.memory_space<hbm>> -> memref<10000xi32, #tpu.memory_space<hbm>>
      tpu.enqueue_dma source(%dma_start3A_33 : memref<10000xi32, #tpu.memory_space<hbm>>) target(%arg8 : memref<10000xi32, #tpu.memory_space<vmem>>) target_semaphore(%run_scoped3A : memref<!tpu.dma_semaphore, #tpu.memory_space<semaphore_mem>>)
      %dma_wait3A = tpu.memref_slice %arg4[%mul3A_8] : memref<160000xi32, #tpu.memory_space<hbm>> -> memref<10000xi32, #tpu.memory_space<hbm>>
      %dma_wait3A_34 = tpu.memref_slice %arg4[%mul3A_8] : memref<160000xi32, #tpu.memory_space<hbm>> -> memref<10000xi32, #tpu.memory_space<hbm>>
      tpu.wait_dma2 semaphore(%run_scoped3A : memref<!tpu.dma_semaphore, #tpu.memory_space<semaphore_mem>>) src(%dma_wait3A_34 : memref<10000xi32, #tpu.memory_space<hbm>>) dst(%arg8 : memref<10000xi32, #tpu.memory_space<vmem>>)
      tpu.yield
    }) : () -> ()
    %barrier3A = arith.constant 0 : index
    tpu.barrier barrier_id(%barrier3A)
    %dma_start3A = arith.constant 0 : i32
    %dma_start3A_9 = tpu.memref_slice %arg7[%dma_start3A] : memref<10000xi32, #tpu.memory_space<vmem>> -> memref<80xi32, #tpu.memory_space<vmem>>
    %dma_start3A_10 = arith.constant 0 : i32
    %dma_start3A_11 = arith.constant 0 : i32
    %dma_start3A_12 = tpu.memref_slice %arg2[%arg0, %dma_start3A_10, %dma_start3A_11] : memref<2x10000x128xf32, #tpu.memory_space<hbm>> -> memref<1x10000x128xf32, #tpu.memory_space<hbm>>
    %dma_start3A_13 = tpu.memref_squeeze %dma_start3A_12 : memref<1x10000x128xf32, #tpu.memory_space<hbm>> -> memref<10000x128xf32, #tpu.memory_space<hbm>>
    %dma_start3A_14 = arith.constant 0 : i32
    %dma_start3A_15 = arith.constant 0 : i32
    %dma_start3A_16 = tpu.memref_slice %dma_start3A_13[%dma_start3A_14, %dma_start3A_15] : memref<10000x128xf32, #tpu.memory_space<hbm>> -> memref<10000x128xf32, #tpu.memory_space<hbm>>
    tpu.enqueue_indirect_dma source(%dma_start3A_16 : memref<10000x128xf32, #tpu.memory_space<hbm>>) target(%arg9 : memref<80x128xf32, #tpu.memory_space<vmem>>) offsets(%dma_start3A_9 : memref<80xi32, #tpu.memory_space<vmem>>) semaphore(%arg12 : memref<!tpu.dma_semaphore, #tpu.memory_space<semaphore_mem>>)
    %scan3A = arith.constant 0 : i32
    %scan3A_17 = arith.constant 63 : i32
    %scan3A_18 = arith.addi %scan3A, %scan3A_17 : i32
    %scan3A_19 = arith.constant 1 : i32
    scf.for %scan3A_32 = %scan3A to %scan3A_18 step %scan3A_19  : i32 {
      %mul3A_33 = arith.constant 2 : i32
      %mul3A_34 = arith.muli %scan3A_32, %mul3A_33 : i32
      %add3A = arith.constant 0 : i32
      %add3A_35 = arith.addi %add3A, %mul3A_34 : i32
      %mul3A_36 = arith.constant 80 : i32
      %mul3A_37 = arith.muli %add3A_35, %mul3A_36 : i32
      %dma_wait3A = tpu.memref_slice %arg7[%mul3A_37] : memref<10000xi32, #tpu.memory_space<vmem>> -> memref<80xi32, #tpu.memory_space<vmem>>
      %dma_wait3A_38 = arith.constant 0 : i32
      %dma_wait3A_39 = arith.constant 0 : i32
      %dma_wait3A_40 = tpu.memref_slice %arg2[%arg0, %dma_wait3A_38, %dma_wait3A_39] : memref<2x10000x128xf32, #tpu.memory_space<hbm>> -> memref<1x10000x128xf32, #tpu.memory_space<hbm>>
      %dma_wait3A_41 = tpu.memref_squeeze %dma_wait3A_40 : memref<1x10000x128xf32, #tpu.memory_space<hbm>> -> memref<10000x128xf32, #tpu.memory_space<hbm>>
      %dma_wait3A_42 = arith.constant 0 : i32
      %dma_wait3A_43 = arith.constant 0 : i32
      %dma_wait3A_44 = tpu.memref_slice %dma_wait3A_41[%dma_wait3A_42, %dma_wait3A_43] : memref<10000x128xf32, #tpu.memory_space<hbm>> -> memref<10000x128xf32, #tpu.memory_space<hbm>>
      tpu.wait_indirect_dma semaphore(%arg12 : memref<!tpu.dma_semaphore, #tpu.memory_space<semaphore_mem>>) src(%dma_wait3A_44 : memref<10000x128xf32, #tpu.memory_space<hbm>>) dst(%arg9 : memref<80x128xf32, #tpu.memory_space<vmem>>)
      %add3A_45 = arith.constant 1 : i32
      %add3A_46 = arith.addi %add3A_35, %add3A_45 : i32
      %lt3A_47 = arith.constant 125 : i32
      %lt3A_48 = arith.cmpi slt, %add3A_46, %lt3A_47 : i32
      %convert_element_type3A_49 = arith.extui %lt3A_48 : i1 to i32
      %cond3A_50 = arith.constant 0 : i32
      %cond3A_51 = arith.cmpi ne, %convert_element_type3A_49, %cond3A_50 : i32
      scf.if %cond3A_51 {
        %mul3A_61 = arith.constant 80 : i32
        %mul3A_62 = arith.muli %add3A_46, %mul3A_61 : i32
        %dma_start3A_63 = tpu.memref_slice %arg7[%mul3A_62] : memref<10000xi32, #tpu.memory_space<vmem>> -> memref<80xi32, #tpu.memory_space<vmem>>
        %dma_start3A_64 = arith.constant 0 : i32
        %dma_start3A_65 = arith.constant 0 : i32
        %dma_start3A_66 = tpu.memref_slice %arg2[%arg0, %dma_start3A_64, %dma_start3A_65] : memref<2x10000x128xf32, #tpu.memory_space<hbm>> -> memref<1x10000x128xf32, #tpu.memory_space<hbm>>
        %dma_start3A_67 = tpu.memref_squeeze %dma_start3A_66 : memref<1x10000x128xf32, #tpu.memory_space<hbm>> -> memref<10000x128xf32, #tpu.memory_space<hbm>>
        %dma_start3A_68 = arith.constant 0 : i32
        %dma_start3A_69 = arith.constant 0 : i32
        %dma_start3A_70 = tpu.memref_slice %dma_start3A_67[%dma_start3A_68, %dma_start3A_69] : memref<10000x128xf32, #tpu.memory_space<hbm>> -> memref<10000x128xf32, #tpu.memory_space<hbm>>
        tpu.enqueue_indirect_dma source(%dma_start3A_70 : memref<10000x128xf32, #tpu.memory_space<hbm>>) target(%arg10 : memref<80x128xf32, #tpu.memory_space<vmem>>) offsets(%dma_start3A_63 : memref<80xi32, #tpu.memory_space<vmem>>) semaphore(%arg13 : memref<!tpu.dma_semaphore, #tpu.memory_space<semaphore_mem>>)
      } else {
      }
      %mul3A_52 = arith.constant 80 : i32
      %mul3A_53 = arith.muli %add3A_35, %mul3A_52 : i32
      "tpu.region"() ({
        %run_scoped3A = tpu.sem_alloc : memref<!tpu.dma_semaphore, #tpu.memory_space<semaphore_mem>>
        %dma_start3A_61 = tpu.memref_slice %arg8[%mul3A_53] : memref<10000xi32, #tpu.memory_space<vmem>> -> memref<80xi32, #tpu.memory_space<vmem>>
        %dma_start3A_62 = arith.constant 0 : i32
        %dma_start3A_63 = arith.constant 0 : i32
        %dma_start3A_64 = tpu.memref_slice %arg11[%dma_start3A_62, %dma_start3A_63] : memref<10000x128xf32, #tpu.memory_space<vmem_shared>> -> memref<10000x128xf32, #tpu.memory_space<vmem_shared>>
        tpu.enqueue_indirect_dma source(%arg9 : memref<80x128xf32, #tpu.memory_space<vmem>>) target(%dma_start3A_64 : memref<10000x128xf32, #tpu.memory_space<vmem_shared>>) offsets(%dma_start3A_61 : memref<80xi32, #tpu.memory_space<vmem>>) semaphore(%run_scoped3A : memref<!tpu.dma_semaphore, #tpu.memory_space<semaphore_mem>>) {add = true}
        %dma_wait3A_65 = tpu.memref_slice %arg8[%mul3A_53] : memref<10000xi32, #tpu.memory_space<vmem>> -> memref<80xi32, #tpu.memory_space<vmem>>
        %dma_wait3A_66 = arith.constant 0 : i32
        %dma_wait3A_67 = arith.constant 0 : i32
        %dma_wait3A_68 = tpu.memref_slice %arg11[%dma_wait3A_66, %dma_wait3A_67] : memref<10000x128xf32, #tpu.memory_space<vmem_shared>> -> memref<10000x128xf32, #tpu.memory_space<vmem_shared>>
        tpu.wait_indirect_dma semaphore(%run_scoped3A : memref<!tpu.dma_semaphore, #tpu.memory_space<semaphore_mem>>) src(%arg9 : memref<80x128xf32, #tpu.memory_space<vmem>>) dst(%dma_wait3A_68 : memref<10000x128xf32, #tpu.memory_space<vmem_shared>>)
        tpu.yield
      }) : () -> ()
      %add3A_54 = arith.constant 1 : i32
      %add3A_55 = arith.addi %add3A_35, %add3A_54 : i32
      %lt3A_56 = arith.constant 125 : i32
      %lt3A_57 = arith.cmpi slt, %add3A_55, %lt3A_56 : i32
      %convert_element_type3A_58 = arith.extui %lt3A_57 : i1 to i32
      %cond3A_59 = arith.constant 0 : i32
      %cond3A_60 = arith.cmpi ne, %convert_element_type3A_58, %cond3A_59 : i32
      scf.if %cond3A_60 {
        %add3A_61 = arith.constant 1 : i32
        %add3A_62 = arith.addi %add3A_35, %add3A_61 : i32
        %mul3A_63 = arith.constant 80 : i32
        %mul3A_64 = arith.muli %add3A_62, %mul3A_63 : i32
        %dma_wait3A_65 = tpu.memref_slice %arg7[%mul3A_64] : memref<10000xi32, #tpu.memory_space<vmem>> -> memref<80xi32, #tpu.memory_space<vmem>>
        %dma_wait3A_66 = arith.constant 0 : i32
        %dma_wait3A_67 = arith.constant 0 : i32
        %dma_wait3A_68 = tpu.memref_slice %arg2[%arg0, %dma_wait3A_66, %dma_wait3A_67] : memref<2x10000x128xf32, #tpu.memory_space<hbm>> -> memref<1x10000x128xf32, #tpu.memory_space<hbm>>
        %dma_wait3A_69 = tpu.memref_squeeze %dma_wait3A_68 : memref<1x10000x128xf32, #tpu.memory_space<hbm>> -> memref<10000x128xf32, #tpu.memory_space<hbm>>
        %dma_wait3A_70 = arith.constant 0 : i32
        %dma_wait3A_71 = arith.constant 0 : i32
        %dma_wait3A_72 = tpu.memref_slice %dma_wait3A_69[%dma_wait3A_70, %dma_wait3A_71] : memref<10000x128xf32, #tpu.memory_space<hbm>> -> memref<10000x128xf32, #tpu.memory_space<hbm>>
        tpu.wait_indirect_dma semaphore(%arg13 : memref<!tpu.dma_semaphore, #tpu.memory_space<semaphore_mem>>) src(%dma_wait3A_72 : memref<10000x128xf32, #tpu.memory_space<hbm>>) dst(%arg10 : memref<80x128xf32, #tpu.memory_space<vmem>>)
        %add3A_73 = arith.constant 2 : i32
        %add3A_74 = arith.addi %add3A_35, %add3A_73 : i32
        %lt3A_75 = arith.constant 125 : i32
        %lt3A_76 = arith.cmpi slt, %add3A_74, %lt3A_75 : i32
        %convert_element_type3A_77 = arith.extui %lt3A_76 : i1 to i32
        %cond3A_78 = arith.constant 0 : i32
        %cond3A_79 = arith.cmpi ne, %convert_element_type3A_77, %cond3A_78 : i32
        scf.if %cond3A_79 {
          %mul3A_84 = arith.constant 80 : i32
          %mul3A_85 = arith.muli %add3A_74, %mul3A_84 : i32
          %dma_start3A_86 = tpu.memref_slice %arg7[%mul3A_85] : memref<10000xi32, #tpu.memory_space<vmem>> -> memref<80xi32, #tpu.memory_space<vmem>>
          %dma_start3A_87 = arith.constant 0 : i32
          %dma_start3A_88 = arith.constant 0 : i32
          %dma_start3A_89 = tpu.memref_slice %arg2[%arg0, %dma_start3A_87, %dma_start3A_88] : memref<2x10000x128xf32, #tpu.memory_space<hbm>> -> memref<1x10000x128xf32, #tpu.memory_space<hbm>>
          %dma_start3A_90 = tpu.memref_squeeze %dma_start3A_89 : memref<1x10000x128xf32, #tpu.memory_space<hbm>> -> memref<10000x128xf32, #tpu.memory_space<hbm>>
          %dma_start3A_91 = arith.constant 0 : i32
          %dma_start3A_92 = arith.constant 0 : i32
          %dma_start3A_93 = tpu.memref_slice %dma_start3A_90[%dma_start3A_91, %dma_start3A_92] : memref<10000x128xf32, #tpu.memory_space<hbm>> -> memref<10000x128xf32, #tpu.memory_space<hbm>>
          tpu.enqueue_indirect_dma source(%dma_start3A_93 : memref<10000x128xf32, #tpu.memory_space<hbm>>) target(%arg9 : memref<80x128xf32, #tpu.memory_space<vmem>>) offsets(%dma_start3A_86 : memref<80xi32, #tpu.memory_space<vmem>>) semaphore(%arg12 : memref<!tpu.dma_semaphore, #tpu.memory_space<semaphore_mem>>)
        } else {
        }
        %add3A_80 = arith.constant 1 : i32
        %add3A_81 = arith.addi %add3A_35, %add3A_80 : i32
        %mul3A_82 = arith.constant 80 : i32
        %mul3A_83 = arith.muli %add3A_81, %mul3A_82 : i32
        "tpu.region"() ({
          %run_scoped3A = tpu.sem_alloc : memref<!tpu.dma_semaphore, #tpu.memory_space<semaphore_mem>>
          %dma_start3A_84 = tpu.memref_slice %arg8[%mul3A_83] : memref<10000xi32, #tpu.memory_space<vmem>> -> memref<80xi32, #tpu.memory_space<vmem>>
          %dma_start3A_85 = arith.constant 0 : i32
          %dma_start3A_86 = arith.constant 0 : i32
          %dma_start3A_87 = tpu.memref_slice %arg11[%dma_start3A_85, %dma_start3A_86] : memref<10000x128xf32, #tpu.memory_space<vmem_shared>> -> memref<10000x128xf32, #tpu.memory_space<vmem_shared>>
          tpu.enqueue_indirect_dma source(%arg10 : memref<80x128xf32, #tpu.memory_space<vmem>>) target(%dma_start3A_87 : memref<10000x128xf32, #tpu.memory_space<vmem_shared>>) offsets(%dma_start3A_84 : memref<80xi32, #tpu.memory_space<vmem>>) semaphore(%run_scoped3A : memref<!tpu.dma_semaphore, #tpu.memory_space<semaphore_mem>>) {add = true}
          %dma_wait3A_88 = tpu.memref_slice %arg8[%mul3A_83] : memref<10000xi32, #tpu.memory_space<vmem>> -> memref<80xi32, #tpu.memory_space<vmem>>
          %dma_wait3A_89 = arith.constant 0 : i32
          %dma_wait3A_90 = arith.constant 0 : i32
          %dma_wait3A_91 = tpu.memref_slice %arg11[%dma_wait3A_89, %dma_wait3A_90] : memref<10000x128xf32, #tpu.memory_space<vmem_shared>> -> memref<10000x128xf32, #tpu.memory_space<vmem_shared>>
          tpu.wait_indirect_dma semaphore(%run_scoped3A : memref<!tpu.dma_semaphore, #tpu.memory_space<semaphore_mem>>) src(%arg10 : memref<80x128xf32, #tpu.memory_space<vmem>>) dst(%dma_wait3A_91 : memref<10000x128xf32, #tpu.memory_space<vmem_shared>>)
          tpu.yield
        }) : () -> ()
      } else {
      }
    }
    %scan3A_20 = arith.constant 63 : i32
    %barrier3A_21 = arith.constant 0 : index
    tpu.barrier barrier_id(%barrier3A_21)
    %lt3A_22 = arith.constant 15 : i32
    %lt3A_23 = arith.cmpi slt, %arg1, %lt3A_22 : i32
    %convert_element_type3A_24 = arith.extui %lt3A_23 : i1 to i32
    %cond3A_25 = arith.constant 0 : i32
    %cond3A_26 = arith.cmpi ne, %convert_element_type3A_24, %cond3A_25 : i32
    scf.if %cond3A_26 {
      %mul3A_32 = arith.constant 624 : i32
      %mul3A_33 = arith.muli %arg1, %mul3A_32 : i32
      %mul3A_34 = arith.constant 624 : i32
      %mul3A_35 = arith.muli %arg1, %mul3A_34 : i32
      "tpu.region"() ({
        %run_scoped3A = tpu.sem_alloc : memref<!tpu.dma_semaphore, #tpu.memory_space<semaphore_mem>>
        %dma_start3A_36 = arith.constant 0 : i32
        %dma_start3A_37 = tpu.memref_slice %arg6[%arg0, %mul3A_35, %dma_start3A_36] : memref<2x10000x128xf32, #tpu.memory_space<hbm>> -> memref<1x624x128xf32, #tpu.memory_space<hbm>>
        %dma_start3A_38 = tpu.memref_squeeze %dma_start3A_37 : memref<1x624x128xf32, #tpu.memory_space<hbm>> -> memref<624x128xf32, #tpu.memory_space<hbm>>
        %dma_start3A_39 = arith.constant 0 : i32
        %dma_start3A_40 = tpu.memref_slice %arg11[%mul3A_33, %dma_start3A_39] : memref<10000x128xf32, #tpu.memory_space<vmem_shared>> -> memref<624x128xf32, #tpu.memory_space<vmem_shared>>
        tpu.enqueue_dma source(%dma_start3A_40 : memref<624x128xf32, #tpu.memory_space<vmem_shared>>) target(%dma_start3A_38 : memref<624x128xf32, #tpu.memory_space<hbm>>) target_semaphore(%run_scoped3A : memref<!tpu.dma_semaphore, #tpu.memory_space<semaphore_mem>>)
        %dma_wait3A = arith.constant 0 : i32
        %dma_wait3A_41 = tpu.memref_slice %arg6[%arg0, %mul3A_35, %dma_wait3A] : memref<2x10000x128xf32, #tpu.memory_space<hbm>> -> memref<1x624x128xf32, #tpu.memory_space<hbm>>
        %dma_wait3A_42 = tpu.memref_squeeze %dma_wait3A_41 : memref<1x624x128xf32, #tpu.memory_space<hbm>> -> memref<624x128xf32, #tpu.memory_space<hbm>>
        %dma_wait3A_43 = arith.constant 0 : i32
        %dma_wait3A_44 = tpu.memref_slice %arg11[%mul3A_33, %dma_wait3A_43] : memref<10000x128xf32, #tpu.memory_space<vmem_shared>> -> memref<624x128xf32, #tpu.memory_space<vmem_shared>>
        tpu.wait_dma2 semaphore(%run_scoped3A : memref<!tpu.dma_semaphore, #tpu.memory_space<semaphore_mem>>) src(%dma_wait3A_44 : memref<624x128xf32, #tpu.memory_space<vmem_shared>>) dst(%dma_wait3A_42 : memref<624x128xf32, #tpu.memory_space<hbm>>)
        tpu.yield
      }) : () -> ()
    } else {
    }
    %eq3A_27 = arith.constant 15 : i32
    %eq3A_28 = arith.cmpi eq, %arg1, %eq3A_27 : i32
    %convert_element_type3A_29 = arith.extui %eq3A_28 : i1 to i32
    %cond3A_30 = arith.constant 0 : i32
    %cond3A_31 = arith.cmpi ne, %convert_element_type3A_29, %cond3A_30 : i32
    scf.if %cond3A_31 {
      "tpu.region"() ({
        %run_scoped3A = tpu.sem_alloc : memref<!tpu.dma_semaphore, #tpu.memory_space<semaphore_mem>>
        %dma_start3A_32 = arith.constant 9360 : i32
        %dma_start3A_33 = arith.constant 0 : i32
        %dma_start3A_34 = tpu.memref_slice %arg6[%arg0, %dma_start3A_32, %dma_start3A_33] : memref<2x10000x128xf32, #tpu.memory_space<hbm>> -> memref<1x640x128xf32, #tpu.memory_space<hbm>>
        %dma_start3A_35 = tpu.memref_squeeze %dma_start3A_34 : memref<1x640x128xf32, #tpu.memory_space<hbm>> -> memref<640x128xf32, #tpu.memory_space<hbm>>
        %dma_start3A_36 = arith.constant 9360 : i32
        %dma_start3A_37 = arith.constant 0 : i32
        %dma_start3A_38 = tpu.memref_slice %arg11[%dma_start3A_36, %dma_start3A_37] : memref<10000x128xf32, #tpu.memory_space<vmem_shared>> -> memref<640x128xf32, #tpu.memory_space<vmem_shared>>
        tpu.enqueue_dma source(%dma_start3A_38 : memref<640x128xf32, #tpu.memory_space<vmem_shared>>) target(%dma_start3A_35 : memref<640x128xf32, #tpu.memory_space<hbm>>) target_semaphore(%run_scoped3A : memref<!tpu.dma_semaphore, #tpu.memory_space<semaphore_mem>>)
        %dma_wait3A = arith.constant 9360 : i32
        %dma_wait3A_39 = arith.constant 0 : i32
        %dma_wait3A_40 = tpu.memref_slice %arg6[%arg0, %dma_wait3A, %dma_wait3A_39] : memref<2x10000x128xf32, #tpu.memory_space<hbm>> -> memref<1x640x128xf32, #tpu.memory_space<hbm>>
        %dma_wait3A_41 = tpu.memref_squeeze %dma_wait3A_40 : memref<1x640x128xf32, #tpu.memory_space<hbm>> -> memref<640x128xf32, #tpu.memory_space<hbm>>
        %dma_wait3A_42 = arith.constant 9360 : i32
        %dma_wait3A_43 = arith.constant 0 : i32
        %dma_wait3A_44 = tpu.memref_slice %arg11[%dma_wait3A_42, %dma_wait3A_43] : memref<10000x128xf32, #tpu.memory_space<vmem_shared>> -> memref<640x128xf32, #tpu.memory_space<vmem_shared>>
        tpu.wait_dma2 semaphore(%run_scoped3A : memref<!tpu.dma_semaphore, #tpu.memory_space<semaphore_mem>>) src(%dma_wait3A_44 : memref<640x128xf32, #tpu.memory_space<vmem_shared>>) dst(%dma_wait3A_41 : memref<640x128xf32, #tpu.memory_space<hbm>>)
        tpu.yield
      }) : () -> ()
    } else {
    }
    return
  }
}

module attributes {stable_mosaic.version = 14 : i64} {
  func.func @_mm0_body(%arg0: i32, %arg1: memref<1000x256xf32, #tpu.memory_space<vmem>>, %arg2: memref<256x256xf32, #tpu.memory_space<vmem>>, %arg3: memref<2x1000x128xf32, #tpu.memory_space<vmem>>) attributes {dimension_semantics = [#tpu.dimension_semantics<arbitrary>], iteration_bounds = array<i64: 10>, scalar_prefetch = 0 : i64, scratch_operands = 0 : i64, tpu.core_type = #tpu.core_type<tc>, window_params = [{transform_indices = @transform_0, window_bounds = array<i64: 1000, 256>}, {pipeline_mode = #tpu.pipeline_mode<synchronous>, transform_indices = @transform_1, window_bounds = array<i64: 256, 256>}, {transform_indices = @transform_2, window_bounds = array<i64: 2, 1000, 128>}]} {
    %get3A = arith.constant 0 : index
    %get3A_0 = arith.constant 0 : index
    %get3A_1 = vector.load %arg1[%get3A, %get3A_0] : memref<1000x256xf32, #tpu.memory_space<vmem>>, vector<1000x256xf32>
    %get3A_2 = arith.constant 0 : index
    %get3A_3 = arith.constant 0 : index
    %get3A_4 = vector.load %arg2[%get3A_2, %get3A_3] : memref<256x256xf32, #tpu.memory_space<vmem>>, vector<256x256xf32>
    %dot_general3A = arith.constant dense<0.000000e+00> : vector<1000x256xf32>
    %dot_general3A_5 = tpu.matmul %get3A_1, %get3A_4, %dot_general3A {dimension_numbers = #tpu.dot_dimension_numbers<[1], [0], [0], [1], [0, 0, 1, 1], [], []>, transpose_lhs_hint = false} : vector<1000x256xf32>, vector<256x256xf32>, vector<1000x256xf32> -> vector<1000x256xf32>
    %slice3A = vector.extract_strided_slice %dot_general3A_5 {offsets = [0, 0], sizes = [1000, 128], strides = [1, 1]} : vector<1000x256xf32> to vector<1000x128xf32>
    %swap3A = arith.constant 0 : index
    %swap3A_6 = arith.constant 0 : index
    %swap3A_7 = arith.constant 0 : index
    %swap3A_8 = vector.load %arg3[%swap3A, %swap3A_6, %swap3A_7] : memref<2x1000x128xf32, #tpu.memory_space<vmem>>, vector<1x1000x128xf32>
    %swap3A_9 = vector.shape_cast %swap3A_8 : vector<1x1000x128xf32> to vector<1000x128xf32>
    %swap3A_10 = vector.shape_cast %slice3A : vector<1000x128xf32> to vector<1x1000x128xf32>
    tpu.vector_store %arg3[%swap3A, %swap3A_6, %swap3A_7], %swap3A_10 {strides = array<i32>} : memref<2x1000x128xf32, #tpu.memory_space<vmem>>, vector<1x1000x128xf32>,
    %slice3A_11 = vector.extract_strided_slice %dot_general3A_5 {offsets = [0, 128], sizes = [1000, 128], strides = [1, 1]} : vector<1000x256xf32> to vector<1000x128xf32>
    %swap3A_12 = arith.constant 1 : index
    %swap3A_13 = arith.constant 0 : index
    %swap3A_14 = arith.constant 0 : index
    %swap3A_15 = vector.load %arg3[%swap3A_12, %swap3A_13, %swap3A_14] : memref<2x1000x128xf32, #tpu.memory_space<vmem>>, vector<1x1000x128xf32>
    %swap3A_16 = vector.shape_cast %swap3A_15 : vector<1x1000x128xf32> to vector<1000x128xf32>
    %swap3A_17 = vector.shape_cast %slice3A_11 : vector<1000x128xf32> to vector<1x1000x128xf32>
    tpu.vector_store %arg3[%swap3A_12, %swap3A_13, %swap3A_14], %swap3A_17 {strides = array<i32>} : memref<2x1000x128xf32, #tpu.memory_space<vmem>>, vector<1x1000x128xf32>,
    return
  }
  func.func @transform_0(%arg0: i32) -> (i32, i32) {
    %c0_i32 = arith.constant 0 : i32
    %c0_i32_0 = arith.constant 0 : i32
    return %arg0, %c0_i32 : i32, i32
  }
  func.func @transform_1(%arg0: i32) -> (i32, i32) {
    %c0_i32 = arith.constant 0 : i32
    %c0_i32_0 = arith.constant 0 : i32
    %c0_i32_1 = arith.constant 0 : i32
    return %c0_i32, %c0_i32_0 : i32, i32
  }
  func.func @transform_2(%arg0: i32) -> (i32, i32, i32) {
    %c0_i32 = arith.constant 0 : i32
    %c0_i32_0 = arith.constant 0 : i32
    %c0_i32_1 = arith.constant 0 : i32
    return %c0_i32, %arg0, %c0_i32_0 : i32, i32, i32
  }
}

module attributes {stable_mosaic.version = 14 : i64} {
  func.func @_upd_body(%arg0: i32, %arg1: memref<1000x256xf32, #tpu.memory_space<vmem>>, %arg2: memref<2x1000x128xf32, #tpu.memory_space<vmem>>, %arg3: memref<1000x32xf32, #tpu.memory_space<vmem>>, %arg4: memref<256x256xf32, #tpu.memory_space<vmem>>, %arg5: memref<1000x256xf32, #tpu.memory_space<vmem>>, %arg6: memref<2x1000x128xf32, #tpu.memory_space<vmem>>) attributes {dimension_semantics = [#tpu.dimension_semantics<arbitrary>], iteration_bounds = array<i64: 10>, scalar_prefetch = 0 : i64, scratch_operands = 0 : i64, tpu.core_type = #tpu.core_type<tc>, window_params = [{transform_indices = @transform_0, window_bounds = array<i64: 1000, 256>}, {transform_indices = @transform_1, window_bounds = array<i64: 2, 1000, 128>}, {transform_indices = @transform_2, window_bounds = array<i64: 1000, 32>}, {pipeline_mode = #tpu.pipeline_mode<synchronous>, transform_indices = @transform_3, window_bounds = array<i64: 256, 256>}, {transform_indices = @transform_4, window_bounds = array<i64: 1000, 256>}, {transform_indices = @transform_5, window_bounds = array<i64: 2, 1000, 128>}]} {
    %get3A = arith.constant 0 : index
    %get3A_0 = arith.constant 0 : index
    %get3A_1 = vector.load %arg3[%get3A, %get3A_0] : memref<1000x32xf32, #tpu.memory_space<vmem>>, vector<1000x32xf32>
    %reduce_sum3A = arith.constant dense<0.000000e+00> : vector<1000xf32>
    %reduce_sum3A_2 = vector.multi_reduction <add>, %get3A_1, %reduce_sum3A [1] : vector<1000x32xf32> to vector<1000xf32>
    %broadcast_in_dim3A = vector.shape_cast %reduce_sum3A_2 : vector<1000xf32> to vector<1000x1xf32>
    %max3A = arith.constant 1.000000e+00 : f32
    %max3A_3 = vector.broadcast %max3A : f32 to vector<1000x1xf32>
    %max3A_4 = arith.maximumf %broadcast_in_dim3A, %max3A_3 : vector<1000x1xf32>
    %div3A = arith.constant 1.000000e+00 : f32
    %div3A_5 = vector.broadcast %div3A : f32 to vector<1000x1xf32>
    %div3A_6 = arith.divf %div3A_5, %max3A_4 : vector<1000x1xf32>
    %get3A_7 = arith.constant 0 : index
    %get3A_8 = arith.constant 0 : index
    %get3A_9 = arith.constant 0 : index
    %get3A_10 = vector.load %arg2[%get3A_7, %get3A_8, %get3A_9] : memref<2x1000x128xf32, #tpu.memory_space<vmem>>, vector<1x1000x128xf32>
    %get3A_11 = vector.shape_cast %get3A_10 : vector<1x1000x128xf32> to vector<1000x128xf32>
    %get3A_12 = arith.constant 1 : index
    %get3A_13 = arith.constant 0 : index
    %get3A_14 = arith.constant 0 : index
    %get3A_15 = vector.load %arg2[%get3A_12, %get3A_13, %get3A_14] : memref<2x1000x128xf32, #tpu.memory_space<vmem>>, vector<1x1000x128xf32>
    %get3A_16 = vector.shape_cast %get3A_15 : vector<1x1000x128xf32> to vector<1000x128xf32>
    %concatenate3A = tpu.concatenate %get3A_11, %get3A_16 in 1 : vector<1000x128xf32>, vector<1000x128xf32> -> vector<1000x256xf32>
    %get3A_17 = arith.constant 0 : index
    %get3A_18 = arith.constant 0 : index
    %get3A_19 = vector.load %arg1[%get3A_17, %get3A_18] : memref<1000x256xf32, #tpu.memory_space<vmem>>, vector<1000x256xf32>
    %mul3A = vector.broadcast %div3A_6 : vector<1000x1xf32> to vector<1000x256xf32>
    %mul3A_20 = arith.mulf %concatenate3A, %mul3A : vector<1000x256xf32>
    %max3A_21 = arith.constant 0.000000e+00 : f32
    %max3A_22 = vector.broadcast %max3A_21 : f32 to vector<1000x256xf32>
    %max3A_23 = arith.maximumf %mul3A_20, %max3A_22 : vector<1000x256xf32>
    %add3A = arith.addf %get3A_19, %max3A_23 : vector<1000x256xf32>
    %swap3A = arith.constant 0 : index
    %swap3A_24 = arith.constant 0 : index
    %swap3A_25 = vector.load %arg5[%swap3A, %swap3A_24] : memref<1000x256xf32, #tpu.memory_space<vmem>>, vector<1000x256xf32>
    tpu.vector_store %arg5[%swap3A, %swap3A_24], %add3A {strides = array<i32>} : memref<1000x256xf32, #tpu.memory_space<vmem>>, vector<1000x256xf32>,
    %get3A_26 = arith.constant 0 : index
    %get3A_27 = arith.constant 0 : index
    %get3A_28 = vector.load %arg4[%get3A_26, %get3A_27] : memref<256x256xf32, #tpu.memory_space<vmem>>, vector<256x256xf32>
    %dot_general3A = arith.constant dense<0.000000e+00> : vector<1000x256xf32>
    %dot_general3A_29 = tpu.matmul %add3A, %get3A_28, %dot_general3A {dimension_numbers = #tpu.dot_dimension_numbers<[1], [0], [0], [1], [0, 0, 1, 1], [], []>, transpose_lhs_hint = false} : vector<1000x256xf32>, vector<256x256xf32>, vector<1000x256xf32> -> vector<1000x256xf32>
    %slice3A = vector.extract_strided_slice %dot_general3A_29 {offsets = [0, 0], sizes = [1000, 128], strides = [1, 1]} : vector<1000x256xf32> to vector<1000x128xf32>
    %swap3A_30 = arith.constant 0 : index
    %swap3A_31 = arith.constant 0 : index
    %swap3A_32 = arith.constant 0 : index
    %swap3A_33 = vector.load %arg6[%swap3A_30, %swap3A_31, %swap3A_32] : memref<2x1000x128xf32, #tpu.memory_space<vmem>>, vector<1x1000x128xf32>
    %swap3A_34 = vector.shape_cast %swap3A_33 : vector<1x1000x128xf32> to vector<1000x128xf32>
    %swap3A_35 = vector.shape_cast %slice3A : vector<1000x128xf32> to vector<1x1000x128xf32>
    tpu.vector_store %arg6[%swap3A_30, %swap3A_31, %swap3A_32], %swap3A_35 {strides = array<i32>} : memref<2x1000x128xf32, #tpu.memory_space<vmem>>, vector<1x1000x128xf32>,
    %slice3A_36 = vector.extract_strided_slice %dot_general3A_29 {offsets = [0, 128], sizes = [1000, 128], strides = [1, 1]} : vector<1000x256xf32> to vector<1000x128xf32>
    %swap3A_37 = arith.constant 1 : index
    %swap3A_38 = arith.constant 0 : index
    %swap3A_39 = arith.constant 0 : index
    %swap3A_40 = vector.load %arg6[%swap3A_37, %swap3A_38, %swap3A_39] : memref<2x1000x128xf32, #tpu.memory_space<vmem>>, vector<1x1000x128xf32>
    %swap3A_41 = vector.shape_cast %swap3A_40 : vector<1x1000x128xf32> to vector<1000x128xf32>
    %swap3A_42 = vector.shape_cast %slice3A_36 : vector<1000x128xf32> to vector<1x1000x128xf32>
    tpu.vector_store %arg6[%swap3A_37, %swap3A_38, %swap3A_39], %swap3A_42 {strides = array<i32>} : memref<2x1000x128xf32, #tpu.memory_space<vmem>>, vector<1x1000x128xf32>,
    return
  }
  func.func @transform_0(%arg0: i32) -> (i32, i32) {
    %c0_i32 = arith.constant 0 : i32
    %c0_i32_0 = arith.constant 0 : i32
    return %arg0, %c0_i32 : i32, i32
  }
  func.func @transform_1(%arg0: i32) -> (i32, i32, i32) {
    %c0_i32 = arith.constant 0 : i32
    %c0_i32_0 = arith.constant 0 : i32
    %c0_i32_1 = arith.constant 0 : i32
    return %c0_i32, %arg0, %c0_i32_0 : i32, i32, i32
  }
  func.func @transform_2(%arg0: i32) -> (i32, i32) {
    %c0_i32 = arith.constant 0 : i32
    %c0_i32_0 = arith.constant 0 : i32
    return %arg0, %c0_i32 : i32, i32
  }
  func.func @transform_3(%arg0: i32) -> (i32, i32) {
    %c0_i32 = arith.constant 0 : i32
    %c0_i32_0 = arith.constant 0 : i32
    %c0_i32_1 = arith.constant 0 : i32
    return %c0_i32, %c0_i32_0 : i32, i32
  }
  func.func @transform_4(%arg0: i32) -> (i32, i32) {
    %c0_i32 = arith.constant 0 : i32
    %c0_i32_0 = arith.constant 0 : i32
    return %arg0, %c0_i32 : i32, i32
  }
  func.func @transform_5(%arg0: i32) -> (i32, i32, i32) {
    %c0_i32 = arith.constant 0 : i32
    %c0_i32_0 = arith.constant 0 : i32
    %c0_i32_1 = arith.constant 0 : i32
    return %c0_i32, %arg0, %c0_i32_0 : i32, i32, i32
  }
}

module attributes {stable_mosaic.version = 14 : i64} {
  func.func @_fin_body(%arg0: i32, %arg1: memref<1000x256xf32, #tpu.memory_space<vmem>>, %arg2: memref<2x1000x128xf32, #tpu.memory_space<vmem>>, %arg3: memref<1000x32xf32, #tpu.memory_space<vmem>>, %arg4: memref<1000x256xf32, #tpu.memory_space<vmem>>) attributes {dimension_semantics = [#tpu.dimension_semantics<arbitrary>], iteration_bounds = array<i64: 10>, scalar_prefetch = 0 : i64, scratch_operands = 0 : i64, tpu.core_type = #tpu.core_type<tc>, window_params = [{transform_indices = @transform_0, window_bounds = array<i64: 1000, 256>}, {transform_indices = @transform_1, window_bounds = array<i64: 2, 1000, 128>}, {transform_indices = @transform_2, window_bounds = array<i64: 1000, 32>}, {transform_indices = @transform_3, window_bounds = array<i64: 1000, 256>}]} {
    %get3A = arith.constant 0 : index
    %get3A_0 = arith.constant 0 : index
    %get3A_1 = vector.load %arg3[%get3A, %get3A_0] : memref<1000x32xf32, #tpu.memory_space<vmem>>, vector<1000x32xf32>
    %reduce_sum3A = arith.constant dense<0.000000e+00> : vector<1000xf32>
    %reduce_sum3A_2 = vector.multi_reduction <add>, %get3A_1, %reduce_sum3A [1] : vector<1000x32xf32> to vector<1000xf32>
    %broadcast_in_dim3A = vector.shape_cast %reduce_sum3A_2 : vector<1000xf32> to vector<1000x1xf32>
    %max3A = arith.constant 1.000000e+00 : f32
    %max3A_3 = vector.broadcast %max3A : f32 to vector<1000x1xf32>
    %max3A_4 = arith.maximumf %broadcast_in_dim3A, %max3A_3 : vector<1000x1xf32>
    %div3A = arith.constant 1.000000e+00 : f32
    %div3A_5 = vector.broadcast %div3A : f32 to vector<1000x1xf32>
    %div3A_6 = arith.divf %div3A_5, %max3A_4 : vector<1000x1xf32>
    %get3A_7 = arith.constant 0 : index
    %get3A_8 = arith.constant 0 : index
    %get3A_9 = arith.constant 0 : index
    %get3A_10 = vector.load %arg2[%get3A_7, %get3A_8, %get3A_9] : memref<2x1000x128xf32, #tpu.memory_space<vmem>>, vector<1x1000x128xf32>
    %get3A_11 = vector.shape_cast %get3A_10 : vector<1x1000x128xf32> to vector<1000x128xf32>
    %get3A_12 = arith.constant 1 : index
    %get3A_13 = arith.constant 0 : index
    %get3A_14 = arith.constant 0 : index
    %get3A_15 = vector.load %arg2[%get3A_12, %get3A_13, %get3A_14] : memref<2x1000x128xf32, #tpu.memory_space<vmem>>, vector<1x1000x128xf32>
    %get3A_16 = vector.shape_cast %get3A_15 : vector<1x1000x128xf32> to vector<1000x128xf32>
    %concatenate3A = tpu.concatenate %get3A_11, %get3A_16 in 1 : vector<1000x128xf32>, vector<1000x128xf32> -> vector<1000x256xf32>
    %get3A_17 = arith.constant 0 : index
    %get3A_18 = arith.constant 0 : index
    %get3A_19 = vector.load %arg1[%get3A_17, %get3A_18] : memref<1000x256xf32, #tpu.memory_space<vmem>>, vector<1000x256xf32>
    %mul3A = vector.broadcast %div3A_6 : vector<1000x1xf32> to vector<1000x256xf32>
    %mul3A_20 = arith.mulf %concatenate3A, %mul3A : vector<1000x256xf32>
    %max3A_21 = arith.constant 0.000000e+00 : f32
    %max3A_22 = vector.broadcast %max3A_21 : f32 to vector<1000x256xf32>
    %max3A_23 = arith.maximumf %mul3A_20, %max3A_22 : vector<1000x256xf32>
    %add3A = arith.addf %get3A_19, %max3A_23 : vector<1000x256xf32>
    %mul3A_24 = arith.mulf %add3A, %add3A : vector<1000x256xf32>
    %reduce_sum3A_25 = arith.constant dense<0.000000e+00> : vector<1000xf32>
    %reduce_sum3A_26 = vector.multi_reduction <add>, %mul3A_24, %reduce_sum3A_25 [1] : vector<1000x256xf32> to vector<1000xf32>
    %broadcast_in_dim3A_27 = vector.shape_cast %reduce_sum3A_26 : vector<1000xf32> to vector<1000x1xf32>
    %sqrt3A = math.sqrt %broadcast_in_dim3A_27 : vector<1000x1xf32>
    %max3A_28 = arith.constant 9.99999996E-13 : f32
    %max3A_29 = vector.broadcast %max3A_28 : f32 to vector<1000x1xf32>
    %max3A_30 = arith.maximumf %sqrt3A, %max3A_29 : vector<1000x1xf32>
    %div3A_31 = vector.broadcast %max3A_30 : vector<1000x1xf32> to vector<1000x256xf32>
    %div3A_32 = arith.divf %add3A, %div3A_31 : vector<1000x256xf32>
    %swap3A = arith.constant 0 : index
    %swap3A_33 = arith.constant 0 : index
    %swap3A_34 = vector.load %arg4[%swap3A, %swap3A_33] : memref<1000x256xf32, #tpu.memory_space<vmem>>, vector<1000x256xf32>
    tpu.vector_store %arg4[%swap3A, %swap3A_33], %div3A_32 {strides = array<i32>} : memref<1000x256xf32, #tpu.memory_space<vmem>>, vector<1000x256xf32>,
    return
  }
  func.func @transform_0(%arg0: i32) -> (i32, i32) {
    %c0_i32 = arith.constant 0 : i32
    %c0_i32_0 = arith.constant 0 : i32
    return %arg0, %c0_i32 : i32, i32
  }
  func.func @transform_1(%arg0: i32) -> (i32, i32, i32) {
    %c0_i32 = arith.constant 0 : i32
    %c0_i32_0 = arith.constant 0 : i32
    %c0_i32_1 = arith.constant 0 : i32
    return %c0_i32, %arg0, %c0_i32_0 : i32, i32, i32
  }
  func.func @transform_2(%arg0: i32) -> (i32, i32) {
    %c0_i32 = arith.constant 0 : i32
    %c0_i32_0 = arith.constant 0 : i32
    return %arg0, %c0_i32 : i32, i32
  }
  func.func @transform_3(%arg0: i32) -> (i32, i32) {
    %c0_i32 = arith.constant 0 : i32
    %c0_i32_0 = arith.constant 0 : i32
    return %arg0, %c0_i32 : i32, i32
  }
}

</mosaic_0001>

<sc_bundles>
// kernel: kernel.10.cloned.1.call-start
scs
__scs_entry_jumppad:
0x0: {  	(pc) =	sbr.rel $0x88, $3  }
0x1: {  	(tag) =	ssettag $0x0;
	lr =	simm.s32 $0x1  }
0x2: {  	[smem:$0x3F9C] =	sst lr;
	_ =	strace $0xD0000000  }
0x3: {  	_ = 	snop  }
0x4: {  	_ = 	snop  }
0x5: {  	_ = 	snop  }
0x6: {  	_ = 	snop  }
0x7: {  	_ = 	snop  }
__scs_overlays_trampoline_lowered:
0x8: {  	[smem:$0x3FAB] =	sst s0  }
0x9: {  	[smem:$0x3FAC] =	sst s1  }
0xa: {  	[smem:$0x3FAD] =	sst s2  }
0xb: {  	[smem:$0x3FAE] =	sst s3  }
0xc: {  	[smem:$0x3FAF] =	sst s4  }
0xd: {  	[smem:$0x3FB0] =	sst s5  }
0xe: {  	[smem:$0x3FB1] =	sst s6  }
0xf: {  	[smem:$0x3FB2] =	sst s7  }
0x10: {  	[smem:$0x3FB3] =	sst s8  }
0x11: {  	[smem:$0x3FB4] =	sst s9;
	s0 =	simm.s32 @!p0 $0x0  }
0x12: {  	s1 =	sld [smem:$0x3F9A];
	s0 =	simm.s32 @p0 $0x1  }
0x13: {  	[smem:$0x3FB5] =	sst s0;
	s0 =	simm.s32 @!p1 $0x0  }
0x14: {  	s2 =	sld [smem:$0x3F99];
	s0 =	simm.s32 @p1 $0x1  }
0x15: {  	[smem:$0x3FB6] =	sst s0;
	s0 =	simm.s32 @!p2 $0x0  }
0x16: {  	s3 =	sld [smem:$0x3FDB];
	s0 =	simm.s32 @p2 $0x1  }
0x17: {  	s4 =	simm.s32 $0x1BF5;
	[smem:$0x3FB8] =	sst s0  }
0x18: {  	s0 =	sld [smem:$0x3F9B];
	_ =	swait.ge [sflag:s4], $0x0  }
0x19: {  	s7 =	sld [smem:$0x3F9C]  }
0x1a: {  	s8 =	sadd.s32 $0xFFFFE003, lr  }
0x1b: {  	s9 =	sadd.s32 $0xFFFFFEF7, lr;
	s5 =	simm.s32 $0xFFFFFFFF;
	p2 =	slt.u32 s8, $0xFFFFF086  }
0x1c: {  	p1 =	slt.u32 s9, $0xF7A;
	s5 =	simm.s32 @!p2 $0x0  }
0x1d: {  	s5 =	simm.s32 @p1 $0x1;
	p0 =	seq.s32 s7, s2  }
0x1e: {  	s7 =	smul.u32 @!p0 $0xF7A, s2;
	p2 =	seq.s32 @!p0 s5, $0x0  }
0x1f: {  	s9 =	smul.u32 $0xF7A, s1;
	s8 =	simm.s32 @!p0 $0x1BF5;
	p2 =	por !p2, p0  }
0x20: {  	[sflag:s8] =	ssyncset.s32 @!p0 $0xFFFFF086;
	s6 =	sadd.s32 @!p0 s3, s7;
	s7 =	simm.s32 @!p0 $0x108  }
0x21: {  	s3 =	sadd.s32 s3, s9;
	s6 =	sadd.s32 @!p0 $0x88, s6;
	s7 =	simm.s32 @p2 $0x1082  }
0x22: {  	[simem:s7], [sflag:s8] =	dma.local @!p0 [hbm:s6], $0xF7A  }
0x23: {  	s9 =	sor.u32 $0xD0000000, s2;
	s6 =	simm.s32 $0x108;
	_ =	swait.ge @!p0 [sflag:s8], $0x0  }
0x24: {  	s3 =	sadd.s32 $0x88, s3;
	s6 =	simm.s32 @!p1 $0x1082;
	[sflag:s4] =	ssyncset.s32 $0xFFFFF086  }
0x25: {  	[simem:s6], [sflag:s4] =	dma.local [hbm:s3], $0xF7A  }
0x26: {  	[smem:$0x3F9C] =	sst s1;
	(tag) =	ssettag s2;
	_ =	strace s9  }
0x27: {  	s1 =	sld [smem:$0x3FAC]  }
0x28: {  	s2 =	sld [smem:$0x3FAD]  }
0x29: {  	s4 =	sld [smem:$0x3FAF]  }
0x2a: {  	p0 =	seq.s32 s5, $0x0;
	s5 =	sld [smem:$0x3FB0]  }
0x2b: {  	s6 =	sld [smem:$0x3FB1]  }
0x2c: {  	s7 =	sld [smem:$0x3FB2]  }
0x2d: {  	s3 =	simm.s32 $0x108;
	s8 =	sld [smem:$0x3FB3]  }
0x2e: {  	s3 =	simm.s32 @!p0 $0x1082;
	s9 =	sld [smem:$0x3FB4]  }
0x2f: {  	lr =	sadd.s32 s0, s3;
	s0 =	sld [smem:$0x3FAB]  }
0x30: {  	s3 =	sld [smem:$0x3FAE]  }
0x31: {  	[smem:$0x3FB7] =	sst s10  }
0x32: {  	s10 =	sld [smem:$0x3FB5];
	_ =	sdelay $0x3  }
0x33: {  	p0 =	seq.s32 s10, $0x1;
	s10 =	sld [smem:$0x3FB7];
	_ =	sdelay $0x3  }
0x34: {  	[smem:$0x3FB7] =	sst s10  }
0x35: {  	s10 =	sld [smem:$0x3FB6];
	_ =	sdelay $0x3  }
0x36: {  	p1 =	seq.s32 s10, $0x1;
	s10 =	sld [smem:$0x3FB7];
	_ =	sdelay $0x3  }
0x37: {  	[smem:$0x3FB7] =	sst s10  }
0x38: {  	s10 =	sld [smem:$0x3FB8]  }
0x39: {  	_ = 	snop;
	(pc) =	sbr.ind lr, $3  }
0x3a: {  	_ = 	snop  }
0x3b: {  	_ = 	snop  }
0x3c: {  	p2 =	seq.s32 s10, $0x1;
	s10 =	sld [smem:$0x3FB7]  }
0x3d: {  	_ =	shalt  }
0x3e: {  	_ =	shalt  }
0x3f: {  	_ =	shalt  }
0x40: {  	_ =	shalt  }
0x41: {  	_ =	shalt  }
0x42: {  	_ =	shalt  }
0x43: {  	_ =	shalt  }
0x44: {  	_ =	shalt  }
0x45: {  	_ =	shalt  }
0x46: {  	_ =	shalt  }
0x47: {  	_ =	shalt  }
0x48: {  	_ =	shalt  }
0x49: {  	_ =	shalt  }
0x4a: {  	_ =	shalt  }
0x4b: {  	_ =	shalt  }
0x4c: {  	_ =	shalt  }
0x4d: {  	_ =	shalt  }
0x4e: {  	_ =	shalt  }
0x4f: {  	_ =	shalt  }
0x50: {  	_ =	shalt  }
0x51: {  	_ =	shalt  }
0x52: {  	_ =	shalt  }
0x53: {  	_ =	shalt  }
0x54: {  	_ =	shalt  }
0x55: {  	_ =	shalt  }
0x56: {  	_ =	shalt  }
0x57: {  	_ =	shalt  }
0x58: {  	_ =	shalt  }
0x59: {  	_ =	shalt  }
0x5a: {  	_ =	shalt  }
0x5b: {  	_ =	shalt  }
0x5c: {  	_ =	shalt  }
0x5d: {  	_ =	shalt  }
0x5e: {  	_ =	shalt  }
0x5f: {  	_ =	shalt  }
0x60: {  	_ =	shalt  }
0x61: {  	_ =	shalt  }
0x62: {  	_ =	shalt  }
0x63: {  	_ =	shalt  }
0x64: {  	_ =	shalt  }
0x65: {  	_ =	shalt  }
0x66: {  	_ =	shalt  }
0x67: {  	_ =	shalt  }
0x68: {  	_ =	shalt  }
0x69: {  	_ =	shalt  }
0x6a: {  	_ =	shalt  }
0x6b: {  	_ =	shalt  }
0x6c: {  	_ =	shalt  }
0x6d: {  	_ =	shalt  }
0x6e: {  	_ =	shalt  }
0x6f: {  	_ =	shalt  }
0x70: {  	_ =	shalt  }
0x71: {  	_ =	shalt  }
0x72: {  	_ =	shalt  }
0x73: {  	_ =	shalt  }
0x74: {  	_ =	shalt  }
0x75: {  	_ =	shalt  }
0x76: {  	_ =	shalt  }
0x77: {  	_ =	shalt  }
0x78: {  	_ =	shalt  }
0x79: {  	_ =	shalt  }
0x7a: {  	_ =	shalt  }
0x7b: {  	_ =	shalt  }
0x7c: {  	_ =	shalt  }
0x7d: {  	_ =	shalt  }
0x7e: {  	_ =	shalt  }
0x7f: {  	_ =	shalt  }
0x80: {  	_ =	shalt  }
0x81: {  	_ =	shalt  }
0x82: {  	_ =	shalt  }
0x83: {  	_ =	shalt  }
0x84: {  	_ =	shalt  }
0x85: {  	_ =	shalt  }
0x86: {  	_ =	shalt  }
0x87: {  	_ =	shalt  }
.Lfunc_end0:
.L_simem_size_0:
called_computation_lowered:
.L_overlay_start_0:
0x88: {  	s2 =	sld [smem:$0x3FD9]  }
0x89: {  	s3 =	sld [smem:$0x3FFE];
	_ =	sdelay $0x1  }
0x8a: {  	s1 =	srdreg.scid  }
0x8b: {  	s0 =	sand.u32 $0x1, s1  }
0x8c: {  	s16 =	sshll.u32 s0, $0xA;
	s2 =	sadd.s32 s3, s2  }
0x8d: {  	s2 =	sadd.s32 s2, s16  }
0x8e: {  	[smem:$0x3FC3] =	sst s2  }
0x8f: {  	_ = 	snop  }
0x90: {  	(tm) =	ssettm $0x1  }
0x91: {  	s17 =	sld [smem:$0x3FFB];
	_ =	sdelay $0x3  }
0x92: {  	_ =	strace s17  }
0x93: {  	s2 =	sld [smem:$0x3FFC];
	_ =	sdelay $0x3  }
0x94: {  	_ =	strace s2  }
0x95: {  	s2 =	sld [smem:$0x3FFD];
	_ =	sdelay $0x3  }
0x96: {  	_ =	strace s2  }
0x97: {  	_ =	strace $0x8FFFFFFF  }
0x98: {  	s18 =	sld [smem:$0x3FDB];
	_ =	sdelay $0x1  }
0x99: {  	s19 =	simm.s32 $_scs_section_size  }
0x9a: {  	s4 =	simm.s32 $_size__tile_overlayer_lowered;
	s5 =	simm.s32 $_tile_overlayer_lowered  }
0x9b: {  	s22 =	simm.s32 $0x1BFF;
	s21 =	sshll.u32 s5, $0x1;
	s2 =	sadd.s32 s19, s18  }
0x9c: {  	s6 =	simm.s32 $0x0;
	s20 =	sshll.u32 s4, $0x1;
	s4 =	sadd.s32 s21, s2  }
0x9d: {  	[timem:s6], [sflag:s22] =	dma.local [hbm:s4], s20  }
0x9e: {  	_ =	swait.ge [sflag:s22], s20  }
0x9f: {  	s3 =	ssub.s32 $0x0, s20;
	[sflag:s22] =	ssyncset.done $0x0  }
0xa0: {  	[sflag:s22] =	ssyncadd.s32 s3;
	_ =	sdelay $0x1  }
0xa1: {  	s23 =	simm.s32 $0x1B8B  }
0xa2: {  	_ =	swait.ge [sflag:s23], $0x1  }
0xa3: {  	[sflag:s23] =	ssyncset.done $0x0  }
0xa4: {  	s25 =	simm.s32 $0x1B8E;
	s24 =	sld [smem:$0x3FFE];
	[sflag:s23] =	ssyncadd.s32 $0xFFFFFFFF  }
0xa5: {  	s26 =	simm.s32 $execute0_lowered;
	[smem:$0x3FD2] =	sst s25  }
0xa6: {  	s4 =	sshll.u32 s26, $0x1;
	_ =	strace $0x80000046;
	[dreg:$0x1] =	wrdreg $0xFFFFFFFF  }
0xa7: {  	s28 =	simm.s32 $_size_execute0_lowered;
	s2 =	sadd.s32 s2, s4;
	[dreg:$0x0] =	wrdreg $0x0  }
0xa8: {  	s4 =	sshll.u32 s28, $0x1;
	[dreg:$0x2] =	wrdreg s2  }
0xa9: {  	[dreg:$0x3] =	wrdreg s4  }
0xaa: {  	[dreg:$0x4] =	wrdreg $0xC0  }
0xab: {  	_ =	task [dreg:s6], $0x5FFFF  }
0xac: {  	[dreg:$0x1] =	wrdreg $0xFFFFFFFF  }
0xad: {  	[dreg:$0x0] =	wrdreg $0x60  }
0xae: {  	[dreg:$0x2] =	wrdreg s24  }
0xaf: {  	[dreg:$0x3] =	wrdreg $0x9  }
0xb0: {  	_ =	task.clear_ibuf [dreg:s6], $0x4FFFF;
	_ =	strace $0x90000046  }
0xb1: {  	s29 =	simm.s32 $0x9;
	_ =	strace $0x80000048  }
0xb2: {  	_ =	swait.ge [sflag:s29], $0x1  }
0xb3: {  	[sflag:s29] =	ssyncadd.s32 $0xFFFFFFFF  }
0xb4: {  	_ =	strace $0x90000048  }
0xb5: {  	_ =	sfence  }
0xb6: {  	s30 =	sld [smem:$0x0];
	_ =	sdelay $0x2  }
0xb7: {  	s31 =	sshll.u32 s1, $0xD;
	s1 =	sshrl.u32 s1, $0x2  }
0xb8: {  	s3 =	sand.u32 $0x4000, s31;
	s1 =	sadd.s32 s1, s30  }
0xb9: {  	s0 =	sor.u32 s3, s0;
	s1 =	sshll.u32 s1, $0x11  }
0xba: {  	s0 =	sor.u32 s1, s0  }
0xbb: {  	s0 =	sadd.s32 $0x8F2B, s0  }
0xbc: {  	[sflag:s0] =	ssyncadd.remote.s32 $0x1  }
0xbd: {  	_ =	sfence.sel $0xFFFF  }
0xbe: {  	[dreg:$0x0] =	wrdreg $0xFFFFFFFF;
	(pc) =	sbr.abs _section_cstart, $3  }
0xbf: {  	[dreg:$0x1] =	wrdreg $0xFFFFFFFF  }
0xc0: {  	_ =	task.clear_ibuf [dreg:s6], $0x2FFFF;
	_ =	strace $0x9FFFFFFF  }
0xc1: {  	(tm) =	ssettm $0x7FFFFFFF  }
tec
execute0_lowered:
.L_overlay_start_1:
0x0: {  	(tag) =	ssettag $0x1  }
0x1: {  	s1 =	srdreg.scid;
	s0 =	stileid.u32  }
0x2: {  	s4 =	rddreg [dreg:$0x0];
	s3 =	sand.u32 $0x1, s1;
	s30 =	sshll.u32 s0, $0x1  }
0x3: {  	s2 =	simm.s32 $0x0;
	s8 =	simm.s32 $0x0;
	s5 =	sor.u32 s3, s30  }
0x4: {  	s1 =	rddreg [dreg:$0x1];
	s3 =	ssub.s32 $0x2, s3;
	s6 =	smul.u32 $0x271, s5  }
0x5: {  	[smem:$0x7FF] =	sst s2;
	s5 =	smul.u32 $0x4E2, s5;
	s7 =	sshrl.u32 s3, $0x1  }
0x6: {  	_ =	strace $0x80000047;
	s31 =	ssub.s32 s3, s7;
	s7 =	simm.s32 $0x1400  }
0x7: {  	s6 =	sadd.s32 s6, s4;
	s4 =	sadd.s32 s5, s4;
	s5 =	smax.u32 s31, $0x1  }
0x8: {  	v0 =	vimm.f32 $0.0e+00;
	v1 =	vimm.s32 $0x0;
	v2 =	vimm.f32 $1.000000000e+00;
	s3 =	sadd.s32 $0x1800, s6;
	s4 =	sadd.s32 $0xB800, s4;
	s6 =	simm.s32 $0x1  }
.LBB2_1:
0x9: {  	s9 =	simm.s32 $0x40;
	s10 =	simm.s32 $0x0  }
.LBB2_2:
0xa: {  	p0 =	sne.s32 s9, $0x9C00;
	[tilespmem:s10+$0x1400] =	vst v0;
	s10 =	smov.u32 s9;
	s9 =	sadd.s32 $0x40, s9  }
.Ltmp0:
0xb: {  	(pc) =	sbr.rel @p0 .LBB2_2-.Ltmp0, $2  }
0xc: {  	_ =	sdelay $0x2  }
0xd: {  	s10 =	sshra.s32 s10, $0x2  }
0xe: {  	[tilespmem:s10+$0x1400] =	vst v0  }
0xf: {  	s9 =	simm.s32 $0x0;
	[tilespmem:$0x1380] =	vst v1  }
0x10: {  	[tilespmem:s9], [sflag:$0x1] =	stream.linear.gather [hbm4b:s3+s9], $0x1388, $0x38;
	[tilespmem:$0x3B80] =	vst v63  }
0x11: {  	_ =	swait.ge [sflag:s6], $0x1388  }
0x12: {  	[sflag:s6] =	ssyncset.done $0x0  }
0x13: {  	s10 =	simm.s32 $0x0;
	s9 =	simm.s32 $0x40;
	[sflag:s6] =	ssyncadd.s32 $0xFFFFEC78  }
.LBB2_4:
0x14: {  	p0 =	sne.s32 s9, $0x4DC0;
	v3 =	vld [tilespmem:s10+$0x0];
	_ =	sdelay $0x3  }
.Ltmp1:
0x15: {  	(pc) =	sbr.rel @p0 .LBB2_4-.Ltmp1, $2  }
0x16: {  	_ =	sdelay $0x2  }
0x17: {  	s10 =	sshra.s32 s9, $0x2;
	s9 =	sadd.s32 $0x40, s9;
	[tilespmem:v3+s7+$0x0] =	vst.idx.add.f32.msk $0xffff, v2  }
0x18: {  	v3 =	vld [tilespmem:s10+$0x0];
	_ =	sdelay $0x7  }
0x19: {  	[tilespmem:v3+s7+$0x0] =	vst.idx.add.f32.msk $0xffff, v2  }
0x1a: {  	v3 =	vld [tilespmem:$0x1380];
	_ =	sdelay $0x5  }
0x1b: {  	s8 =	sadd.s32 $0x1, s8  }
0x1c: {  	p0 =	sne.s32 s8, s5  }
.Ltmp2:
0x1d: {  	[tilespmem:v3+s7+$0x0] =	vst.idx.add.f32.msk $0xff, v2;
	(pc) =	sbr.rel @p0 .LBB2_1-.Ltmp2, $4  }
0x1e: {  	[hbm4b:s4+s2] =	stream.linear.scatter [tilespmem:s7], [sflag:$0x1], $0x2710, $0x38;
	[tilespmem:$0x3B80] =	vst v63  }
0x1f: {  	_ =	swait.ge [sflag:s6], $0x2710  }
0x20: {  	[sflag:s6] =	ssyncset.done $0x0  }
0x21: {  	[sflag:s6] =	ssyncadd.s32 $0xFFFFD8F0  }
0x22: {  	_ =	sfence.sel $0x180000  }
0x23: {  	[bflag:$0x0] =	sbarrier.arrive $0xFFFF  }
0x24: {  	p0 =	sne.s32 s0, $0x0;
	_ =	strace $0x90000047  }
0x25: {  	s0 =	sadd.s32 @!p0 $0x100000, s1;
	[bflag:$0x2] =	sbarrier.arrive $0xFFFF  }
0x26: {  	[sflag:s0] =	ssyncadd.tile.s32 @!p0 $0x1;
	_ =	shalt  }
.Lfunc_end2:
_tile_overlayer_lowered:
.L_overlay_start_2:
0x27: {  	(tag) =	ssettag $0x2  }
0x28: {  	s0 =	rddreg [dreg:$0x0];
	s2 =	stileid.u32  }
0x29: {  	s1 =	rddreg [dreg:$0x1];
	p0 =	sne.s32 s2, $0x0  }
0x2a: {  	s3 =	rddreg [dreg:$0x2];
	[bflag:$0x3] =	sbarrier.arrive $0xFFFF;
	s2 =	simm.s32 @!p0 $0x1C01  }
0x2b: {  	[timem:s3], [sflag:s2] =	dma.local @!p0 [hbm:s0], s1  }
0x2c: {  	s0 =	simm.s32 @!p0 $0x1  }
0x2d: {  	_ =	swait.ge @!p0 [sflag:s0], s1  }
0x2e: {  	s1 =	ssub.s32 @!p0 $0x0, s1;
	[sflag:s0] =	ssyncset.done @!p0 $0x0  }
0x2f: {  	[sflag:s0] =	ssyncadd.s32 @!p0 s1  }
0x30: {  	[bflag:$0x3] =	sbarrier.arrive $0xFFFF  }
0x31: {  	_ =	shalt  }

// kernel: kernel.13.cloned.1.call-start
scs
__scs_entry_jumppad:
0x0: {  	(pc) =	sbr.rel $0x88, $3  }
0x1: {  	(tag) =	ssettag $0x0;
	lr =	simm.s32 $0x1  }
0x2: {  	[smem:$0x3F9C] =	sst lr;
	_ =	strace $0xD0000000  }
0x3: {  	_ = 	snop  }
0x4: {  	_ = 	snop  }
0x5: {  	_ = 	snop  }
0x6: {  	_ = 	snop  }
0x7: {  	_ = 	snop  }
__scs_overlays_trampoline_lowered:
0x8: {  	[smem:$0x3FAB] =	sst s0  }
0x9: {  	[smem:$0x3FAC] =	sst s1  }
0xa: {  	[smem:$0x3FAD] =	sst s2  }
0xb: {  	[smem:$0x3FAE] =	sst s3  }
0xc: {  	[smem:$0x3FAF] =	sst s4  }
0xd: {  	[smem:$0x3FB0] =	sst s5  }
0xe: {  	[smem:$0x3FB1] =	sst s6  }
0xf: {  	[smem:$0x3FB2] =	sst s7  }
0x10: {  	[smem:$0x3FB3] =	sst s8  }
0x11: {  	[smem:$0x3FB4] =	sst s9;
	s0 =	simm.s32 @!p0 $0x0  }
0x12: {  	s1 =	sld [smem:$0x3F9A];
	s0 =	simm.s32 @p0 $0x1  }
0x13: {  	[smem:$0x3FB5] =	sst s0;
	s0 =	simm.s32 @!p1 $0x0  }
0x14: {  	s2 =	sld [smem:$0x3F99];
	s0 =	simm.s32 @p1 $0x1  }
0x15: {  	[smem:$0x3FB6] =	sst s0;
	s0 =	simm.s32 @!p2 $0x0  }
0x16: {  	s3 =	sld [smem:$0x3FDB];
	s0 =	simm.s32 @p2 $0x1  }
0x17: {  	s4 =	simm.s32 $0x1BF5;
	[smem:$0x3FB8] =	sst s0  }
0x18: {  	s0 =	sld [smem:$0x3F9B];
	_ =	swait.ge [sflag:s4], $0x0  }
0x19: {  	s7 =	sld [smem:$0x3F9C]  }
0x1a: {  	s8 =	sadd.s32 $0xFFFFE003, lr  }
0x1b: {  	s9 =	sadd.s32 $0xFFFFFEF7, lr;
	s5 =	simm.s32 $0xFFFFFFFF;
	p2 =	slt.u32 s8, $0xFFFFF086  }
0x1c: {  	p1 =	slt.u32 s9, $0xF7A;
	s5 =	simm.s32 @!p2 $0x0  }
0x1d: {  	s5 =	simm.s32 @p1 $0x1;
	p0 =	seq.s32 s7, s2  }
0x1e: {  	s7 =	smul.u32 @!p0 $0xF7A, s2;
	p2 =	seq.s32 @!p0 s5, $0x0  }
0x1f: {  	s9 =	smul.u32 $0xF7A, s1;
	s8 =	simm.s32 @!p0 $0x1BF5;
	p2 =	por !p2, p0  }
0x20: {  	[sflag:s8] =	ssyncset.s32 @!p0 $0xFFFFF086;
	s6 =	sadd.s32 @!p0 s3, s7;
	s7 =	simm.s32 @!p0 $0x108  }
0x21: {  	s3 =	sadd.s32 s3, s9;
	s6 =	sadd.s32 @!p0 $0x88, s6;
	s7 =	simm.s32 @p2 $0x1082  }
0x22: {  	[simem:s7], [sflag:s8] =	dma.local @!p0 [hbm:s6], $0xF7A  }
0x23: {  	s9 =	sor.u32 $0xD0000000, s2;
	s6 =	simm.s32 $0x108;
	_ =	swait.ge @!p0 [sflag:s8], $0x0  }
0x24: {  	s3 =	sadd.s32 $0x88, s3;
	s6 =	simm.s32 @!p1 $0x1082;
	[sflag:s4] =	ssyncset.s32 $0xFFFFF086  }
0x25: {  	[simem:s6], [sflag:s4] =	dma.local [hbm:s3], $0xF7A  }
0x26: {  	[smem:$0x3F9C] =	sst s1;
	(tag) =	ssettag s2;
	_ =	strace s9  }
0x27: {  	s1 =	sld [smem:$0x3FAC]  }
0x28: {  	s2 =	sld [smem:$0x3FAD]  }
0x29: {  	s4 =	sld [smem:$0x3FAF]  }
0x2a: {  	p0 =	seq.s32 s5, $0x0;
	s5 =	sld [smem:$0x3FB0]  }
0x2b: {  	s6 =	sld [smem:$0x3FB1]  }
0x2c: {  	s7 =	sld [smem:$0x3FB2]  }
0x2d: {  	s3 =	simm.s32 $0x108;
	s8 =	sld [smem:$0x3FB3]  }
0x2e: {  	s3 =	simm.s32 @!p0 $0x1082;
	s9 =	sld [smem:$0x3FB4]  }
0x2f: {  	lr =	sadd.s32 s0, s3;
	s0 =	sld [smem:$0x3FAB]  }
0x30: {  	s3 =	sld [smem:$0x3FAE]  }
0x31: {  	[smem:$0x3FB7] =	sst s10  }
0x32: {  	s10 =	sld [smem:$0x3FB5];
	_ =	sdelay $0x3  }
0x33: {  	p0 =	seq.s32 s10, $0x1;
	s10 =	sld [smem:$0x3FB7];
	_ =	sdelay $0x3  }
0x34: {  	[smem:$0x3FB7] =	sst s10  }
0x35: {  	s10 =	sld [smem:$0x3FB6];
	_ =	sdelay $0x3  }
0x36: {  	p1 =	seq.s32 s10, $0x1;
	s10 =	sld [smem:$0x3FB7];
	_ =	sdelay $0x3  }
0x37: {  	[smem:$0x3FB7] =	sst s10  }
0x38: {  	s10 =	sld [smem:$0x3FB8]  }
0x39: {  	_ = 	snop;
	(pc) =	sbr.ind lr, $3  }
0x3a: {  	_ = 	snop  }
0x3b: {  	_ = 	snop  }
0x3c: {  	p2 =	seq.s32 s10, $0x1;
	s10 =	sld [smem:$0x3FB7]  }
0x3d: {  	_ =	shalt  }
0x3e: {  	_ =	shalt  }
0x3f: {  	_ =	shalt  }
0x40: {  	_ =	shalt  }
0x41: {  	_ =	shalt  }
0x42: {  	_ =	shalt  }
0x43: {  	_ =	shalt  }
0x44: {  	_ =	shalt  }
0x45: {  	_ =	shalt  }
0x46: {  	_ =	shalt  }
0x47: {  	_ =	shalt  }
0x48: {  	_ =	shalt  }
0x49: {  	_ =	shalt  }
0x4a: {  	_ =	shalt  }
0x4b: {  	_ =	shalt  }
0x4c: {  	_ =	shalt  }
0x4d: {  	_ =	shalt  }
0x4e: {  	_ =	shalt  }
0x4f: {  	_ =	shalt  }
0x50: {  	_ =	shalt  }
0x51: {  	_ =	shalt  }
0x52: {  	_ =	shalt  }
0x53: {  	_ =	shalt  }
0x54: {  	_ =	shalt  }
0x55: {  	_ =	shalt  }
0x56: {  	_ =	shalt  }
0x57: {  	_ =	shalt  }
0x58: {  	_ =	shalt  }
0x59: {  	_ =	shalt  }
0x5a: {  	_ =	shalt  }
0x5b: {  	_ =	shalt  }
0x5c: {  	_ =	shalt  }
0x5d: {  	_ =	shalt  }
0x5e: {  	_ =	shalt  }
0x5f: {  	_ =	shalt  }
0x60: {  	_ =	shalt  }
0x61: {  	_ =	shalt  }
0x62: {  	_ =	shalt  }
0x63: {  	_ =	shalt  }
0x64: {  	_ =	shalt  }
0x65: {  	_ =	shalt  }
0x66: {  	_ =	shalt  }
0x67: {  	_ =	shalt  }
0x68: {  	_ =	shalt  }
0x69: {  	_ =	shalt  }
0x6a: {  	_ =	shalt  }
0x6b: {  	_ =	shalt  }
0x6c: {  	_ =	shalt  }
0x6d: {  	_ =	shalt  }
0x6e: {  	_ =	shalt  }
0x6f: {  	_ =	shalt  }
0x70: {  	_ =	shalt  }
0x71: {  	_ =	shalt  }
0x72: {  	_ =	shalt  }
0x73: {  	_ =	shalt  }
0x74: {  	_ =	shalt  }
0x75: {  	_ =	shalt  }
0x76: {  	_ =	shalt  }
0x77: {  	_ =	shalt  }
0x78: {  	_ =	shalt  }
0x79: {  	_ =	shalt  }
0x7a: {  	_ =	shalt  }
0x7b: {  	_ =	shalt  }
0x7c: {  	_ =	shalt  }
0x7d: {  	_ =	shalt  }
0x7e: {  	_ =	shalt  }
0x7f: {  	_ =	shalt  }
0x80: {  	_ =	shalt  }
0x81: {  	_ =	shalt  }
0x82: {  	_ =	shalt  }
0x83: {  	_ =	shalt  }
0x84: {  	_ =	shalt  }
0x85: {  	_ =	shalt  }
0x86: {  	_ =	shalt  }
0x87: {  	_ =	shalt  }
.Lfunc_end0:
.L_simem_size_0:
called_computation.1_lowered:
.L_overlay_start_0:
0x88: {  	s2 =	sld [smem:$0x3FD9]  }
0x89: {  	s3 =	sld [smem:$0x3FFE];
	_ =	sdelay $0x1  }
0x8a: {  	s1 =	srdreg.scid  }
0x8b: {  	s0 =	sand.u32 $0x1, s1  }
0x8c: {  	s17 =	sshll.u32 s0, $0xA;
	s2 =	sadd.s32 s3, s2  }
0x8d: {  	s2 =	sadd.s32 s2, s17  }
0x8e: {  	[smem:$0x3FC3] =	sst s2  }
0x8f: {  	_ = 	snop  }
0x90: {  	s18 =	sld [smem:$0x3FD0];
	(tm) =	ssettm $0x1  }
0x91: {  	s19 =	sld [smem:$0x3FFB];
	_ =	sdelay $0x3  }
0x92: {  	_ =	strace s19  }
0x93: {  	s2 =	sld [smem:$0x3FFC];
	_ =	sdelay $0x3  }
0x94: {  	_ =	strace s2  }
0x95: {  	s2 =	sld [smem:$0x3FFD];
	_ =	sdelay $0x3  }
0x96: {  	_ =	strace s2  }
0x97: {  	_ =	strace $0x8FFFFFFF  }
0x98: {  	s20 =	sld [smem:$0x3FDB];
	_ =	sdelay $0x1  }
0x99: {  	s4 =	simm.s32 $_scs_section_size  }
0x9a: {  	s5 =	simm.s32 $_size__tile_overlayer_lowered;
	s6 =	simm.s32 $_tile_overlayer_lowered  }
0x9b: {  	s7 =	simm.s32 $0x1BFF;
	s21 =	sshll.u32 s6, $0x1;
	s4 =	sadd.s32 s4, s20  }
0x9c: {  	s22 =	simm.s32 $0x0;
	s5 =	sshll.u32 s5, $0x1;
	s6 =	sadd.s32 s21, s4  }
0x9d: {  	[timem:s22], [sflag:s7] =	dma.local [hbm:s6], s5  }
0x9e: {  	_ =	swait.ge [sflag:s7], s5  }
0x9f: {  	s5 =	ssub.s32 $0x0, s5;
	[sflag:s7] =	ssyncset.done $0x0  }
0xa0: {  	[sflag:s7] =	ssyncadd.s32 s5;
	_ =	sdelay $0x1  }
0xa1: {  	s23 =	simm.s32 $0x1B8B  }
0xa2: {  	_ =	swait.ge [sflag:s23], $0x1  }
0xa3: {  	[sflag:s23] =	ssyncset.done $0x0  }
0xa4: {  	[sflag:s23] =	ssyncadd.s32 $0xFFFFFFFF  }
0xa5: {  	s5 =	sld [smem:$0x0]  }
0xa6: {  	s6 =	sand.u32 $0xFFFFFFFE, s1  }
0xa7: {  	p0 =	sne.s32 s1, s6  }
0xa8: {  	s6 =	sshll.u32 @p0 s6, $0xE  }
0xa9: {  	s6 =	sadd.s32 @p0 $0x11B8D, s6;
	s7 =	sshll.u32 @p0 s5, $0x11  }
0xaa: {  	s6 =	sor.u32 @p0 s7, s6  }
0xab: {  	[sflag:s6] =	ssyncadd.remote.s32 @p0 $0x1;
	_ =	sdelay $0x1  }
0xac: {  	s6 =	simm.s32 @p0 $0x1B8D  }
0xad: {  	_ =	swait.eq @p0 [sflag:s6], $0x1  }
0xae: {  	[sflag:s6] =	ssyncadd.s32 @p0 $0xFFFFFFFF  }
0xaf: {  	s7 =	sshll.u32 @!p0 s1, $0xE  }
0xb0: {  	s7 =	sor.u32 @!p0 $0x4000, s7;
	s6 =	simm.s32 @!p0 $0x1B8D  }
0xb1: {  	s5 =	sshll.u32 @!p0 s5, $0x11;
	s7 =	sadd.s32 @!p0 $0x11B8D, s7;
	_ =	swait.eq @!p0 [sflag:s6], $0x1  }
0xb2: {  	s5 =	sor.u32 @!p0 s5, s7;
	[sflag:s6] =	ssyncadd.s32 @!p0 $0xFFFFFFFF  }
0xb3: {  	s25 =	simm.s32 $0x1B8E;
	s24 =	sld [smem:$0x3FFE];
	[sflag:s5] =	ssyncadd.remote.s32 @!p0 $0x1  }
0xb4: {  	s26 =	simm.s32 $execute0_lowered;
	[smem:$0x3FD2] =	sst s25  }
0xb5: {  	s6 =	sshll.u32 s26, $0x1;
	_ =	strace $0x80000049;
	[dreg:$0x1] =	wrdreg $0xFFFFFFFF  }
0xb6: {  	s28 =	simm.s32 $_size_execute0_lowered;
	s4 =	sadd.s32 s4, s6;
	[dreg:$0x0] =	wrdreg $0x0  }
0xb7: {  	s6 =	sshll.u32 s28, $0x1;
	[dreg:$0x2] =	wrdreg s4  }
0xb8: {  	[dreg:$0x3] =	wrdreg s6  }
0xb9: {  	[dreg:$0x4] =	wrdreg $0xC0  }
0xba: {  	_ =	task [dreg:s22], $0x5FFFF  }
0xbb: {  	[dreg:$0x1] =	wrdreg $0xFFFFFFFF  }
0xbc: {  	[dreg:$0x0] =	wrdreg $0x60  }
0xbd: {  	[dreg:$0x2] =	wrdreg s18  }
0xbe: {  	[dreg:$0x3] =	wrdreg s24  }
0xbf: {  	[dreg:$0x4] =	wrdreg $0x9F000  }
0xc0: {  	[dreg:$0x5] =	wrdreg $0xA  }
0xc1: {  	_ =	task.clear_ibuf [dreg:s22], $0x6FFFF;
	_ =	strace $0x90000049  }
0xc2: {  	s29 =	simm.s32 $0xA;
	_ =	strace $0x8000004B  }
0xc3: {  	_ =	swait.ge [sflag:s29], $0x1  }
0xc4: {  	[sflag:s29] =	ssyncadd.s32 $0xFFFFFFFF  }
0xc5: {  	_ =	strace $0x9000004B  }
0xc6: {  	_ =	sfence  }
0xc7: {  	s30 =	sld [smem:$0x0];
	_ =	sdelay $0x2  }
0xc8: {  	s31 =	sshll.u32 s1, $0xD;
	s1 =	sshrl.u32 s1, $0x2  }
0xc9: {  	s4 =	sand.u32 $0x4000, s31;
	s1 =	sadd.s32 s1, s30  }
0xca: {  	s0 =	sor.u32 s4, s0;
	s1 =	sshll.u32 s1, $0x11  }
0xcb: {  	s0 =	sor.u32 s1, s0  }
0xcc: {  	s0 =	sadd.s32 $0x8F2B, s0  }
0xcd: {  	[sflag:s0] =	ssyncadd.remote.s32 $0x1  }
0xce: {  	_ =	sfence.sel $0xFFFF  }
0xcf: {  	[dreg:$0x0] =	wrdreg $0xFFFFFFFF;
	(pc) =	sbr.abs _section_cstart, $3  }
0xd0: {  	[dreg:$0x1] =	wrdreg $0xFFFFFFFF  }
0xd1: {  	_ =	task.clear_ibuf [dreg:s22], $0x2FFFF;
	_ =	strace $0x9FFFFFFF  }
0xd2: {  	(tm) =	ssettm $0x7FFFFFFF  }
0xd3: {  	_ =	shalt  }
tec
execute0_lowered:
.L_overlay_start_1:
0x0: {  	(tag) =	ssettag $0x1  }
0x1: {  	s8 =	rddreg [dreg:$0x0]  }
0x2: {  	s5 =	rddreg [dreg:$0x1]  }
0x3: {  	s2 =	rddreg [dreg:$0x2]  }
0x4: {  	s0 =	rddreg [dreg:$0x3];
	s3 =	simm.s32 $0x0;
	s1 =	stileid.u32  }
0x5: {  	s6 =	srdreg.scid;
	s16 =	simm.s32 $0x2780;
	s17 =	simm.s32 $0x50  }
0x6: {  	s18 =	simm.s32 $0x4F00;
	s19 =	simm.s32 $0x1;
	s20 =	simm.s32 $0x7700  }
0x7: {  	s21 =	simm.s32 $0x4;
	s22 =	simm.s32 $0x2;
	s4 =	smul.u32 $0x4E2, s1  }
0x8: {  	s23 =	simm.s32 $0x4E40;
	s24 =	simm.s32 $0x0;
	s7 =	smul.u32 $0x2700, s1  }
0x9: {  	[smem:$0x7FF] =	sst s3;
	s6 =	sand.u32 $0x1, s6;
	s10 =	smul.u32 $0x4E000, s1  }
0xa: {  	s11 =	sadd.s32 $0x3C800, s5;
	s13 =	smul.u32 $0x13800, s1;
	s15 =	sadd.s32 $0x124800, s2  }
0xb: {  	p0 =	seq.s32 s1, $0xF;
	_ =	strace $0x8000004A;
	s26 =	ssub.s32 $0x2, s6  }
0xc: {  	s29 =	smul.u32 $0x138800, s6;
	s9 =	sadd.s32 s4, s5;
	s7 =	sadd.s32 s7, s5  }
0xd: {  	s12 =	sshrl.u32 s26, $0x1;
	s28 =	sshrl.u32 s10, $0x2;
	s5 =	sadd.s32 $0x39F00, s5  }
0xe: {  	s12 =	ssub.s32 s26, s12;
	s14 =	sadd.s32 s28, s2;
	s4 =	sadd.s32 $0x15600, s7  }
0xf: {  	s6 =	sadd.s32 $0x6800, s9;
	s7 =	sadd.s32 $0x1800, s9;
	s30 =	sshrl.u32 s29, $0x3  }
0x10: {  	s10 =	sadd.s32 s13, s29;
	s13 =	sshll.u32 @!p0 s1, $0x6;
	s8 =	sadd.s32 s8, s30  }
0x11: {  	s10 =	sshrl.u32 s10, $0x3;
	s31 =	sadd.s32 s11, s30;
	s13 =	sor.u32 @!p0 $0x1C03, s13  }
0x12: {  	s14 =	sshrl.u32 @!p0 s14, $0x3;
	s9 =	sadd.s32 s11, s10;
	s10 =	sadd.s32 $0x24900, s31  }
0x13: {  	s11 =	smax.u32 s12, $0x1;
	s12 =	sshrl.u32 @p0 s15, $0x3;
	s15 =	simm.s32 $0x3  }
.LBB2_1:
0x14: {  	s25 =	simm.s32 @p0 $0x1FC3  }
0x15: {  	[spmem:s12], [sflag:s25] =	dma.local @p0 [hbm:s5], $0x2800  }
0x16: {  	s25 =	simm.s32 @p0 $0x3  }
0x17: {  	_ =	swait.ge @p0 [sflag:s25], $0x2800  }
0x18: {  	[sflag:s25] =	ssyncset.done @p0 $0x0  }
0x19: {  	[sflag:s25] =	ssyncadd.s32 @p0 $0xFFFFD800;
	s25 =	simm.s32 @!p0 $0x3  }
0x1a: {  	[spmem:s14], [sflag:s13] =	dma.local @!p0 [hbm:s4], $0x2700  }
0x1b: {  	_ =	swait.ge @!p0 [sflag:s25], $0x2700  }
0x1c: {  	[sflag:s25] =	ssyncset.done @!p0 $0x0  }
0x1d: {  	[sflag:s25] =	ssyncadd.s32 @!p0 $0xFFFFD900  }
0x1e: {  	[tilespmem:s3], [sflag:$0x3] =	stream.linear.gather [hbm4b:s6+s3], $0x2710, $0x38;
	[tilespmem:$0x1D780] =	vst v63  }
0x1f: {  	_ =	swait.ge [sflag:s15], $0x2710  }
0x20: {  	[sflag:s15] =	ssyncset.done $0x0  }
0x21: {  	[sflag:s15] =	ssyncadd.s32 $0xFFFFD8F0  }
0x22: {  	[tilespmem:s16], [sflag:$0x3] =	stream.linear.gather [hbm4b:s7+s3], $0x2710, $0x38;
	[tilespmem:$0x1D780] =	vst v63  }
0x23: {  	_ =	swait.ge [sflag:s15], $0x2710  }
0x24: {  	[sflag:s15] =	ssyncset.done $0x0  }
0x25: {  	[sflag:s15] =	ssyncadd.s32 $0xFFFFD8F0  }
0x26: {  	[bflag:$0x0] =	sbarrier.arrive $0xFFFF  }
0x27: {  	[tilespmem:s18], [sflag:$0x1] =	stream.indirect.gather [hbm4b:s8+s17], $0x80, s3, s17, $0xb8;
	[tilespmem:$0x1D780] =	vst v63  }
0x28: {  	_ =	swait.ge [sflag:s19], $0x2800  }
0x29: {  	[sflag:s19] =	ssyncset.done $0x0  }
0x2a: {  	s28 =	simm.s32 $0x50;
	[sflag:s19] =	ssyncadd.s32 $0xFFFFD800  }
0x2b: {  	[tilespmem:s20], [sflag:$0x2] =	stream.indirect.gather [hbm4b:s8+s17], $0x80, s28, s17, $0xb8;
	[tilespmem:$0x1D780] =	vst v63  }
0x2c: {  	s29 =	simm.s32 $0x2780  }
0x2d: {  	[spmem:s2] =	stream.indirect.scatter.add.f32 [tilespmem:s18], [sflag:$0x4], $0x80, s29, s17, $0xb8;
	[tilespmem:$0x1D780] =	vst v63  }
0x2e: {  	_ =	swait.ge [sflag:s21], $0x2800  }
0x2f: {  	[sflag:s21] =	ssyncset.done $0x0  }
0x30: {  	[sflag:s21] =	ssyncadd.s32 $0xFFFFD800  }
0x31: {  	_ =	swait.ge [sflag:s22], $0x2800  }
0x32: {  	[sflag:s22] =	ssyncset.done $0x0  }
0x33: {  	s30 =	simm.s32 $0xA0;
	[sflag:s22] =	ssyncadd.s32 $0xFFFFD800  }
0x34: {  	[tilespmem:s18], [sflag:$0x1] =	stream.indirect.gather [hbm4b:s8+s17], $0x80, s30, s17, $0xb8;
	[tilespmem:$0x1D780] =	vst v63  }
0x35: {  	s31 =	simm.s32 $0x27D0  }
0x36: {  	[spmem:s2] =	stream.indirect.scatter.add.f32 [tilespmem:s20], [sflag:$0x3], $0x80, s31, s17, $0xb8;
	[tilespmem:$0x1D780] =	vst v63  }
0x37: {  	_ =	swait.ge [sflag:s15], $0x2800  }
0x38: {  	s25 =	simm.s32 $0x280;
	[sflag:s15] =	ssyncset.done $0x0  }
.LBB2_2:
0x39: {  	p1 =	sne.s32 s25, $0x9880  }
0x3a: {  	[sflag:s15] =	ssyncadd.s32 $0xFFFFD800;
	s26 =	smov.u32 s25;
	s25 =	sadd.s32 $0x280, s25  }
0x3b: {  	_ = 	snop  }
0x3c: {  	_ =	swait.ge [sflag:s19], $0x2800  }
0x3d: {  	s26 =	sshra.s32 s26, $0x2;
	[sflag:s19] =	ssyncset.done $0x0  }
0x3e: {  	s28 =	sadd.s32 $0x50, s26;
	[sflag:s19] =	ssyncadd.s32 $0xFFFFD800  }
0x3f: {  	[tilespmem:s20], [sflag:$0x2] =	stream.indirect.gather [hbm4b:s8+s17], $0x80, s28, s17, $0xb8;
	[tilespmem:$0x1D780] =	vst v63  }
0x40: {  	s28 =	sadd.s32 $0x2780, s26  }
0x41: {  	[spmem:s2] =	stream.indirect.scatter.add.f32 [tilespmem:s18], [sflag:$0x4], $0x80, s28, s17, $0xb8;
	[tilespmem:$0x1D780] =	vst v63  }
0x42: {  	_ =	swait.ge [sflag:s21], $0x2800  }
0x43: {  	[sflag:s21] =	ssyncset.done $0x0  }
0x44: {  	[sflag:s21] =	ssyncadd.s32 $0xFFFFD800  }
0x45: {  	_ =	swait.ge [sflag:s22], $0x2800  }
0x46: {  	[sflag:s22] =	ssyncset.done $0x0  }
0x47: {  	s28 =	sadd.s32 $0xA0, s26;
	[sflag:s22] =	ssyncadd.s32 $0xFFFFD800  }
0x48: {  	[tilespmem:s18], [sflag:$0x1] =	stream.indirect.gather [hbm4b:s8+s17], $0x80, s28, s17, $0xb8;
	[tilespmem:$0x1D780] =	vst v63  }
.Ltmp0:
0x49: {  	_ = 	snop;
	(pc) =	sbr.rel @p1 .LBB2_2-.Ltmp0, $4  }
0x4a: {  	s26 =	sadd.s32 $0x27D0, s26  }
0x4b: {  	[spmem:s2] =	stream.indirect.scatter.add.f32 [tilespmem:s20], [sflag:$0x3], $0x80, s26, s17, $0xb8;
	[tilespmem:$0x1D780] =	vst v63  }
0x4c: {  	_ =	swait.ge [sflag:s15], $0x2800  }
0x4d: {  	[sflag:s15] =	ssyncset.done $0x0  }
0x4e: {  	[sflag:s15] =	ssyncadd.s32 $0xFFFFD800  }
0x4f: {  	_ =	swait.ge [sflag:s19], $0x2800  }
0x50: {  	[sflag:s19] =	ssyncset.done $0x0  }
0x51: {  	[sflag:s19] =	ssyncadd.s32 $0xFFFFD800  }
0x52: {  	[spmem:s2] =	stream.indirect.scatter.add.f32 [tilespmem:s18], [sflag:$0x4], $0x80, s23, s17, $0xb8;
	[tilespmem:$0x1D780] =	vst v63  }
0x53: {  	_ =	swait.ge [sflag:s21], $0x2800  }
0x54: {  	[sflag:s21] =	ssyncset.done $0x0  }
0x55: {  	[sflag:s21] =	ssyncadd.s32 $0xFFFFD800  }
0x56: {  	s25 =	simm.s32 @p0 $0x1FC3;
	[bflag:$0x0] =	sbarrier.arrive $0xFFFF  }
0x57: {  	[hbm:s10], [sflag:s25] =	dma.local @p0 [spmem:s12], $0x2800  }
0x58: {  	s25 =	simm.s32 @p0 $0x3  }
0x59: {  	s24 =	sadd.s32 $0x1, s24;
	_ =	swait.ge @p0 [sflag:s25], $0x2800  }
0x5a: {  	p1 =	sne.s32 s24, s11;
	[sflag:s25] =	ssyncset.done @p0 $0x0  }
.Ltmp1:
0x5b: {  	[sflag:s25] =	ssyncadd.s32 @p0 $0xFFFFD800;
	s25 =	simm.s32 @!p0 $0x3;
	(pc) =	sbr.rel @p1 .LBB2_1-.Ltmp1, $4  }
0x5c: {  	[hbm:s9], [sflag:s13] =	dma.local @!p0 [spmem:s14], $0x2700  }
0x5d: {  	_ =	swait.ge @!p0 [sflag:s25], $0x2700  }
0x5e: {  	[sflag:s25] =	ssyncset.done @!p0 $0x0  }
0x5f: {  	[sflag:s25] =	ssyncadd.s32 @!p0 $0xFFFFD900  }
0x60: {  	_ =	sfence.sel $0x180000  }
0x61: {  	[bflag:$0x0] =	sbarrier.arrive $0xFFFF  }
0x62: {  	p0 =	sne.s32 s1, $0x0;
	_ =	strace $0x9000004A  }
0x63: {  	s0 =	sadd.s32 @!p0 $0x100000, s0;
	[bflag:$0x2] =	sbarrier.arrive $0xFFFF  }
0x64: {  	[sflag:s0] =	ssyncadd.tile.s32 @!p0 $0x1;
	_ =	shalt  }
.Lfunc_end2:
_tile_overlayer_lowered:
.L_overlay_start_2:
0x65: {  	(tag) =	ssettag $0x2  }
0x66: {  	s0 =	rddreg [dreg:$0x0];
	s2 =	stileid.u32  }
0x67: {  	s1 =	rddreg [dreg:$0x1];
	p0 =	sne.s32 s2, $0x0  }
0x68: {  	s3 =	rddreg [dreg:$0x2];
	[bflag:$0x3] =	sbarrier.arrive $0xFFFF;
	s2 =	simm.s32 @!p0 $0x1C03  }
0x69: {  	[timem:s3], [sflag:s2] =	dma.local @!p0 [hbm:s0], s1  }
0x6a: {  	s0 =	simm.s32 @!p0 $0x3  }
0x6b: {  	_ =	swait.ge @!p0 [sflag:s0], s1  }
0x6c: {  	s1 =	ssub.s32 @!p0 $0x0, s1;
	[sflag:s0] =	ssyncset.done @!p0 $0x0  }
0x6d: {  	[sflag:s0] =	ssyncadd.s32 @!p0 s1  }
0x6e: {  	[bflag:$0x3] =	sbarrier.arrive $0xFFFF  }
0x6f: {  	_ =	shalt  }

// kernel: kernel.16.cloned.1.call-start
scs
__scs_entry_jumppad:
0x0: {  	(pc) =	sbr.rel $0x88, $3  }
0x1: {  	(tag) =	ssettag $0x0;
	lr =	simm.s32 $0x1  }
0x2: {  	[smem:$0x3F9C] =	sst lr;
	_ =	strace $0xD0000000  }
0x3: {  	_ = 	snop  }
0x4: {  	_ = 	snop  }
0x5: {  	_ = 	snop  }
0x6: {  	_ = 	snop  }
0x7: {  	_ = 	snop  }
__scs_overlays_trampoline_lowered:
0x8: {  	[smem:$0x3FAB] =	sst s0  }
0x9: {  	[smem:$0x3FAC] =	sst s1  }
0xa: {  	[smem:$0x3FAD] =	sst s2  }
0xb: {  	[smem:$0x3FAE] =	sst s3  }
0xc: {  	[smem:$0x3FAF] =	sst s4  }
0xd: {  	[smem:$0x3FB0] =	sst s5  }
0xe: {  	[smem:$0x3FB1] =	sst s6  }
0xf: {  	[smem:$0x3FB2] =	sst s7  }
0x10: {  	[smem:$0x3FB3] =	sst s8  }
0x11: {  	[smem:$0x3FB4] =	sst s9;
	s0 =	simm.s32 @!p0 $0x0  }
0x12: {  	s1 =	sld [smem:$0x3F9A];
	s0 =	simm.s32 @p0 $0x1  }
0x13: {  	[smem:$0x3FB5] =	sst s0;
	s0 =	simm.s32 @!p1 $0x0  }
0x14: {  	s2 =	sld [smem:$0x3F99];
	s0 =	simm.s32 @p1 $0x1  }
0x15: {  	[smem:$0x3FB6] =	sst s0;
	s0 =	simm.s32 @!p2 $0x0  }
0x16: {  	s3 =	sld [smem:$0x3FDB];
	s0 =	simm.s32 @p2 $0x1  }
0x17: {  	s4 =	simm.s32 $0x1BF5;
	[smem:$0x3FB8] =	sst s0  }
0x18: {  	s0 =	sld [smem:$0x3F9B];
	_ =	swait.ge [sflag:s4], $0x0  }
0x19: {  	s7 =	sld [smem:$0x3F9C]  }
0x1a: {  	s8 =	sadd.s32 $0xFFFFE003, lr  }
0x1b: {  	s9 =	sadd.s32 $0xFFFFFEF7, lr;
	s5 =	simm.s32 $0xFFFFFFFF;
	p2 =	slt.u32 s8, $0xFFFFF086  }
0x1c: {  	p1 =	slt.u32 s9, $0xF7A;
	s5 =	simm.s32 @!p2 $0x0  }
0x1d: {  	s5 =	simm.s32 @p1 $0x1;
	p0 =	seq.s32 s7, s2  }
0x1e: {  	s7 =	smul.u32 @!p0 $0xF7A, s2;
	p2 =	seq.s32 @!p0 s5, $0x0  }
0x1f: {  	s9 =	smul.u32 $0xF7A, s1;
	s8 =	simm.s32 @!p0 $0x1BF5;
	p2 =	por !p2, p0  }
0x20: {  	[sflag:s8] =	ssyncset.s32 @!p0 $0xFFFFF086;
	s6 =	sadd.s32 @!p0 s3, s7;
	s7 =	simm.s32 @!p0 $0x108  }
0x21: {  	s3 =	sadd.s32 s3, s9;
	s6 =	sadd.s32 @!p0 $0x88, s6;
	s7 =	simm.s32 @p2 $0x1082  }
0x22: {  	[simem:s7], [sflag:s8] =	dma.local @!p0 [hbm:s6], $0xF7A  }
0x23: {  	s9 =	sor.u32 $0xD0000000, s2;
	s6 =	simm.s32 $0x108;
	_ =	swait.ge @!p0 [sflag:s8], $0x0  }
0x24: {  	s3 =	sadd.s32 $0x88, s3;
	s6 =	simm.s32 @!p1 $0x1082;
	[sflag:s4] =	ssyncset.s32 $0xFFFFF086  }
0x25: {  	[simem:s6], [sflag:s4] =	dma.local [hbm:s3], $0xF7A  }
0x26: {  	[smem:$0x3F9C] =	sst s1;
	(tag) =	ssettag s2;
	_ =	strace s9  }
0x27: {  	s1 =	sld [smem:$0x3FAC]  }
0x28: {  	s2 =	sld [smem:$0x3FAD]  }
0x29: {  	s4 =	sld [smem:$0x3FAF]  }
0x2a: {  	p0 =	seq.s32 s5, $0x0;
	s5 =	sld [smem:$0x3FB0]  }
0x2b: {  	s6 =	sld [smem:$0x3FB1]  }
0x2c: {  	s7 =	sld [smem:$0x3FB2]  }
0x2d: {  	s3 =	simm.s32 $0x108;
	s8 =	sld [smem:$0x3FB3]  }
0x2e: {  	s3 =	simm.s32 @!p0 $0x1082;
	s9 =	sld [smem:$0x3FB4]  }
0x2f: {  	lr =	sadd.s32 s0, s3;
	s0 =	sld [smem:$0x3FAB]  }
0x30: {  	s3 =	sld [smem:$0x3FAE]  }
0x31: {  	[smem:$0x3FB7] =	sst s10  }
0x32: {  	s10 =	sld [smem:$0x3FB5];
	_ =	sdelay $0x3  }
0x33: {  	p0 =	seq.s32 s10, $0x1;
	s10 =	sld [smem:$0x3FB7];
	_ =	sdelay $0x3  }
0x34: {  	[smem:$0x3FB7] =	sst s10  }
0x35: {  	s10 =	sld [smem:$0x3FB6];
	_ =	sdelay $0x3  }
0x36: {  	p1 =	seq.s32 s10, $0x1;
	s10 =	sld [smem:$0x3FB7];
	_ =	sdelay $0x3  }
0x37: {  	[smem:$0x3FB7] =	sst s10  }
0x38: {  	s10 =	sld [smem:$0x3FB8]  }
0x39: {  	_ = 	snop;
	(pc) =	sbr.ind lr, $3  }
0x3a: {  	_ = 	snop  }
0x3b: {  	_ = 	snop  }
0x3c: {  	p2 =	seq.s32 s10, $0x1;
	s10 =	sld [smem:$0x3FB7]  }
0x3d: {  	_ =	shalt  }
0x3e: {  	_ =	shalt  }
0x3f: {  	_ =	shalt  }
0x40: {  	_ =	shalt  }
0x41: {  	_ =	shalt  }
0x42: {  	_ =	shalt  }
0x43: {  	_ =	shalt  }
0x44: {  	_ =	shalt  }
0x45: {  	_ =	shalt  }
0x46: {  	_ =	shalt  }
0x47: {  	_ =	shalt  }
0x48: {  	_ =	shalt  }
0x49: {  	_ =	shalt  }
0x4a: {  	_ =	shalt  }
0x4b: {  	_ =	shalt  }
0x4c: {  	_ =	shalt  }
0x4d: {  	_ =	shalt  }
0x4e: {  	_ =	shalt  }
0x4f: {  	_ =	shalt  }
0x50: {  	_ =	shalt  }
0x51: {  	_ =	shalt  }
0x52: {  	_ =	shalt  }
0x53: {  	_ =	shalt  }
0x54: {  	_ =	shalt  }
0x55: {  	_ =	shalt  }
0x56: {  	_ =	shalt  }
0x57: {  	_ =	shalt  }
0x58: {  	_ =	shalt  }
0x59: {  	_ =	shalt  }
0x5a: {  	_ =	shalt  }
0x5b: {  	_ =	shalt  }
0x5c: {  	_ =	shalt  }
0x5d: {  	_ =	shalt  }
0x5e: {  	_ =	shalt  }
0x5f: {  	_ =	shalt  }
0x60: {  	_ =	shalt  }
0x61: {  	_ =	shalt  }
0x62: {  	_ =	shalt  }
0x63: {  	_ =	shalt  }
0x64: {  	_ =	shalt  }
0x65: {  	_ =	shalt  }
0x66: {  	_ =	shalt  }
0x67: {  	_ =	shalt  }
0x68: {  	_ =	shalt  }
0x69: {  	_ =	shalt  }
0x6a: {  	_ =	shalt  }
0x6b: {  	_ =	shalt  }
0x6c: {  	_ =	shalt  }
0x6d: {  	_ =	shalt  }
0x6e: {  	_ =	shalt  }
0x6f: {  	_ =	shalt  }
0x70: {  	_ =	shalt  }
0x71: {  	_ =	shalt  }
0x72: {  	_ =	shalt  }
0x73: {  	_ =	shalt  }
0x74: {  	_ =	shalt  }
0x75: {  	_ =	shalt  }
0x76: {  	_ =	shalt  }
0x77: {  	_ =	shalt  }
0x78: {  	_ =	shalt  }
0x79: {  	_ =	shalt  }
0x7a: {  	_ =	shalt  }
0x7b: {  	_ =	shalt  }
0x7c: {  	_ =	shalt  }
0x7d: {  	_ =	shalt  }
0x7e: {  	_ =	shalt  }
0x7f: {  	_ =	shalt  }
0x80: {  	_ =	shalt  }
0x81: {  	_ =	shalt  }
0x82: {  	_ =	shalt  }
0x83: {  	_ =	shalt  }
0x84: {  	_ =	shalt  }
0x85: {  	_ =	shalt  }
0x86: {  	_ =	shalt  }
0x87: {  	_ =	shalt  }
.Lfunc_end0:
.L_simem_size_0:
called_computation.2_lowered:
.L_overlay_start_0:
0x88: {  	s2 =	sld [smem:$0x3FD9]  }
0x89: {  	s3 =	sld [smem:$0x3FFE];
	_ =	sdelay $0x1  }
0x8a: {  	s1 =	srdreg.scid  }
0x8b: {  	s0 =	sand.u32 $0x1, s1  }
0x8c: {  	s17 =	sshll.u32 s0, $0xA;
	s2 =	sadd.s32 s3, s2  }
0x8d: {  	s2 =	sadd.s32 s2, s17  }
0x8e: {  	[smem:$0x3FC3] =	sst s2  }
0x8f: {  	_ = 	snop  }
0x90: {  	s2 =	sld [smem:$0x3FD0];
	(tm) =	ssettm $0x1  }
0x91: {  	s18 =	sld [smem:$0x3FFB];
	_ =	sdelay $0x3  }
0x92: {  	_ =	strace s18  }
0x93: {  	s3 =	sld [smem:$0x3FFC];
	_ =	sdelay $0x3  }
0x94: {  	_ =	strace s3  }
0x95: {  	s3 =	sld [smem:$0x3FFD];
	_ =	sdelay $0x3  }
0x96: {  	_ =	strace s3  }
0x97: {  	_ =	strace $0x8FFFFFFF  }
0x98: {  	s19 =	sld [smem:$0x3FDB];
	_ =	sdelay $0x1  }
0x99: {  	s4 =	simm.s32 $_scs_section_size  }
0x9a: {  	s5 =	simm.s32 $_size__tile_overlayer_lowered;
	s6 =	simm.s32 $_tile_overlayer_lowered  }
0x9b: {  	s22 =	simm.s32 $0x1BFF;
	s21 =	sshll.u32 s6, $0x1;
	s3 =	sadd.s32 s4, s19  }
0x9c: {  	s7 =	simm.s32 $0x0;
	s20 =	sshll.u32 s5, $0x1;
	s5 =	sadd.s32 s21, s3  }
0x9d: {  	[timem:s7], [sflag:s22] =	dma.local [hbm:s5], s20  }
0x9e: {  	_ =	swait.ge [sflag:s22], s20  }
0x9f: {  	s4 =	ssub.s32 $0x0, s20;
	[sflag:s22] =	ssyncset.done $0x0  }
0xa0: {  	[sflag:s22] =	ssyncadd.s32 s4;
	_ =	sdelay $0x1  }
0xa1: {  	s23 =	simm.s32 $0x1B8B  }
0xa2: {  	_ =	swait.ge [sflag:s23], $0x1  }
0xa3: {  	[sflag:s23] =	ssyncset.done $0x0  }
0xa4: {  	s25 =	simm.s32 $0x1B8E;
	s24 =	sld [smem:$0x3FFE];
	[sflag:s23] =	ssyncadd.s32 $0xFFFFFFFF  }
0xa5: {  	s26 =	simm.s32 $execute0_lowered;
	[smem:$0x3FD2] =	sst s25  }
0xa6: {  	s5 =	sshll.u32 s26, $0x1;
	_ =	strace $0x8000004C;
	[dreg:$0x1] =	wrdreg $0xFFFFFFFF  }
0xa7: {  	s28 =	simm.s32 $_size_execute0_lowered;
	s3 =	sadd.s32 s3, s5;
	[dreg:$0x0] =	wrdreg $0x0  }
0xa8: {  	s5 =	sshll.u32 s28, $0x1;
	[dreg:$0x2] =	wrdreg s3  }
0xa9: {  	[dreg:$0x3] =	wrdreg s5  }
0xaa: {  	[dreg:$0x4] =	wrdreg $0xC0  }
0xab: {  	_ =	task [dreg:s7], $0x5FFFF  }
0xac: {  	[dreg:$0x1] =	wrdreg $0xFFFFFFFF  }
0xad: {  	[dreg:$0x0] =	wrdreg $0x60  }
0xae: {  	[dreg:$0x2] =	wrdreg s2  }
0xaf: {  	[dreg:$0x3] =	wrdreg s24  }
0xb0: {  	[dreg:$0x4] =	wrdreg $0x9F000  }
0xb1: {  	[dreg:$0x5] =	wrdreg $0x9  }
0xb2: {  	_ =	task.clear_ibuf [dreg:s7], $0x6FFFF;
	_ =	strace $0x9000004C  }
0xb3: {  	s29 =	simm.s32 $0x9;
	_ =	strace $0x8000004E  }
0xb4: {  	_ =	swait.ge [sflag:s29], $0x1  }
0xb5: {  	[sflag:s29] =	ssyncadd.s32 $0xFFFFFFFF  }
0xb6: {  	_ =	strace $0x9000004E  }
0xb7: {  	_ =	sfence  }
0xb8: {  	s30 =	sld [smem:$0x0];
	_ =	sdelay $0x2  }
0xb9: {  	s31 =	sshll.u32 s1, $0xD;
	s1 =	sshrl.u32 s1, $0x2  }
0xba: {  	s3 =	sand.u32 $0x4000, s31;
	s1 =	sadd.s32 s1, s30  }
0xbb: {  	s0 =	sor.u32 s3, s0;
	s1 =	sshll.u32 s1, $0x11  }
0xbc: {  	s0 =	sor.u32 s1, s0  }
0xbd: {  	s0 =	sadd.s32 $0x8F2B, s0  }
0xbe: {  	[sflag:s0] =	ssyncadd.remote.s32 $0x1  }
0xbf: {  	_ =	sfence.sel $0xFFFF  }
0xc0: {  	[dreg:$0x0] =	wrdreg $0xFFFFFFFF;
	(pc) =	sbr.abs _section_cstart, $3  }
0xc1: {  	[dreg:$0x1] =	wrdreg $0xFFFFFFFF  }
0xc2: {  	_ =	task.clear_ibuf [dreg:s7], $0x2FFFF;
	_ =	strace $0x9FFFFFFF  }
0xc3: {  	(tm) =	ssettm $0x7FFFFFFF  }
tec
execute0_lowered:
.L_overlay_start_1:
0x0: {  	(tag) =	ssettag $0x1  }
0x1: {  	s8 =	rddreg [dreg:$0x0]  }
0x2: {  	s5 =	rddreg [dreg:$0x1]  }
0x3: {  	s2 =	rddreg [dreg:$0x2]  }
0x4: {  	s0 =	rddreg [dreg:$0x3];
	s3 =	simm.s32 $0x0;
	s1 =	stileid.u32  }
0x5: {  	s6 =	srdreg.scid;
	s16 =	simm.s32 $0x2780;
	s17 =	simm.s32 $0x50  }
0x6: {  	s18 =	simm.s32 $0x4F00;
	s19 =	simm.s32 $0x1;
	s20 =	simm.s32 $0x7700  }
0x7: {  	s21 =	simm.s32 $0x4;
	s22 =	simm.s32 $0x2;
	s4 =	smul.u32 $0x4E2, s1  }
0x8: {  	s23 =	simm.s32 $0x4E40;
	s24 =	simm.s32 $0x0;
	s7 =	smul.u32 $0x2700, s1  }
0x9: {  	[smem:$0x7FF] =	sst s3;
	s6 =	sand.u32 $0x1, s6;
	s10 =	smul.u32 $0x4E000, s1  }
0xa: {  	s11 =	sadd.s32 $0x8AA00, s5;
	s13 =	smul.u32 $0x13800, s1;
	s15 =	sadd.s32 $0x124800, s2  }
0xb: {  	p0 =	seq.s32 s1, $0xF;
	_ =	strace $0x8000004D;
	s26 =	ssub.s32 $0x2, s6  }
0xc: {  	s29 =	smul.u32 $0x138800, s6;
	s9 =	sadd.s32 s4, s5;
	s7 =	sadd.s32 s7, s5  }
0xd: {  	s12 =	sshrl.u32 s26, $0x1;
	s28 =	sshrl.u32 s10, $0x2;
	s5 =	sadd.s32 $0x39F00, s5  }
0xe: {  	s12 =	ssub.s32 s26, s12;
	s14 =	sadd.s32 s28, s2;
	s4 =	sadd.s32 $0x15600, s7  }
0xf: {  	s6 =	sadd.s32 $0x6800, s9;
	s7 =	sadd.s32 $0x1800, s9;
	s30 =	sshrl.u32 s29, $0x3  }
0x10: {  	s10 =	sadd.s32 s13, s29;
	s13 =	sshll.u32 @!p0 s1, $0x6;
	s8 =	sadd.s32 s8, s30  }
0x11: {  	s10 =	sshrl.u32 s10, $0x3;
	s31 =	sadd.s32 s11, s30;
	s13 =	sor.u32 @!p0 $0x1C03, s13  }
0x12: {  	s14 =	sshrl.u32 @!p0 s14, $0x3;
	s9 =	sadd.s32 s11, s10;
	s10 =	sadd.s32 $0x24900, s31  }
0x13: {  	s11 =	smax.u32 s12, $0x1;
	s12 =	sshrl.u32 @p0 s15, $0x3;
	s15 =	simm.s32 $0x3  }
.LBB2_1:
0x14: {  	s25 =	simm.s32 @p0 $0x1FC3  }
0x15: {  	[spmem:s12], [sflag:s25] =	dma.local @p0 [hbm:s5], $0x2800  }
0x16: {  	s25 =	simm.s32 @p0 $0x3  }
0x17: {  	_ =	swait.ge @p0 [sflag:s25], $0x2800  }
0x18: {  	[sflag:s25] =	ssyncset.done @p0 $0x0  }
0x19: {  	[sflag:s25] =	ssyncadd.s32 @p0 $0xFFFFD800;
	s25 =	simm.s32 @!p0 $0x3  }
0x1a: {  	[spmem:s14], [sflag:s13] =	dma.local @!p0 [hbm:s4], $0x2700  }
0x1b: {  	_ =	swait.ge @!p0 [sflag:s25], $0x2700  }
0x1c: {  	[sflag:s25] =	ssyncset.done @!p0 $0x0  }
0x1d: {  	[sflag:s25] =	ssyncadd.s32 @!p0 $0xFFFFD900  }
0x1e: {  	[tilespmem:s3], [sflag:$0x3] =	stream.linear.gather [hbm4b:s6+s3], $0x2710, $0x38;
	[tilespmem:$0x1D780] =	vst v63  }
0x1f: {  	_ =	swait.ge [sflag:s15], $0x2710  }
0x20: {  	[sflag:s15] =	ssyncset.done $0x0  }
0x21: {  	[sflag:s15] =	ssyncadd.s32 $0xFFFFD8F0  }
0x22: {  	[tilespmem:s16], [sflag:$0x3] =	stream.linear.gather [hbm4b:s7+s3], $0x2710, $0x38;
	[tilespmem:$0x1D780] =	vst v63  }
0x23: {  	_ =	swait.ge [sflag:s15], $0x2710  }
0x24: {  	[sflag:s15] =	ssyncset.done $0x0  }
0x25: {  	[sflag:s15] =	ssyncadd.s32 $0xFFFFD8F0  }
0x26: {  	[bflag:$0x0] =	sbarrier.arrive $0xFFFF  }
0x27: {  	[tilespmem:s18], [sflag:$0x1] =	stream.indirect.gather [hbm4b:s8+s17], $0x80, s3, s17, $0xb8;
	[tilespmem:$0x1D780] =	vst v63  }
0x28: {  	_ =	swait.ge [sflag:s19], $0x2800  }
0x29: {  	[sflag:s19] =	ssyncset.done $0x0  }
0x2a: {  	s28 =	simm.s32 $0x50;
	[sflag:s19] =	ssyncadd.s32 $0xFFFFD800  }
0x2b: {  	[tilespmem:s20], [sflag:$0x2] =	stream.indirect.gather [hbm4b:s8+s17], $0x80, s28, s17, $0xb8;
	[tilespmem:$0x1D780] =	vst v63  }
0x2c: {  	s29 =	simm.s32 $0x2780  }
0x2d: {  	[spmem:s2] =	stream.indirect.scatter.add.f32 [tilespmem:s18], [sflag:$0x4], $0x80, s29, s17, $0xb8;
	[tilespmem:$0x1D780] =	vst v63  }
0x2e: {  	_ =	swait.ge [sflag:s21], $0x2800  }
0x2f: {  	[sflag:s21] =	ssyncset.done $0x0  }
0x30: {  	[sflag:s21] =	ssyncadd.s32 $0xFFFFD800  }
0x31: {  	_ =	swait.ge [sflag:s22], $0x2800  }
0x32: {  	[sflag:s22] =	ssyncset.done $0x0  }
0x33: {  	s30 =	simm.s32 $0xA0;
	[sflag:s22] =	ssyncadd.s32 $0xFFFFD800  }
0x34: {  	[tilespmem:s18], [sflag:$0x1] =	stream.indirect.gather [hbm4b:s8+s17], $0x80, s30, s17, $0xb8;
	[tilespmem:$0x1D780] =	vst v63  }
0x35: {  	s31 =	simm.s32 $0x27D0  }
0x36: {  	[spmem:s2] =	stream.indirect.scatter.add.f32 [tilespmem:s20], [sflag:$0x3], $0x80, s31, s17, $0xb8;
	[tilespmem:$0x1D780] =	vst v63  }
0x37: {  	_ =	swait.ge [sflag:s15], $0x2800  }
0x38: {  	s25 =	simm.s32 $0x280;
	[sflag:s15] =	ssyncset.done $0x0  }
.LBB2_2:
0x39: {  	p1 =	sne.s32 s25, $0x9880  }
0x3a: {  	[sflag:s15] =	ssyncadd.s32 $0xFFFFD800;
	s26 =	smov.u32 s25;
	s25 =	sadd.s32 $0x280, s25  }
0x3b: {  	_ = 	snop  }
0x3c: {  	_ =	swait.ge [sflag:s19], $0x2800  }
0x3d: {  	s26 =	sshra.s32 s26, $0x2;
	[sflag:s19] =	ssyncset.done $0x0  }
0x3e: {  	s28 =	sadd.s32 $0x50, s26;
	[sflag:s19] =	ssyncadd.s32 $0xFFFFD800  }
0x3f: {  	[tilespmem:s20], [sflag:$0x2] =	stream.indirect.gather [hbm4b:s8+s17], $0x80, s28, s17, $0xb8;
	[tilespmem:$0x1D780] =	vst v63  }
0x40: {  	s28 =	sadd.s32 $0x2780, s26  }
0x41: {  	[spmem:s2] =	stream.indirect.scatter.add.f32 [tilespmem:s18], [sflag:$0x4], $0x80, s28, s17, $0xb8;
	[tilespmem:$0x1D780] =	vst v63  }
0x42: {  	_ =	swait.ge [sflag:s21], $0x2800  }
0x43: {  	[sflag:s21] =	ssyncset.done $0x0  }
0x44: {  	[sflag:s21] =	ssyncadd.s32 $0xFFFFD800  }
0x45: {  	_ =	swait.ge [sflag:s22], $0x2800  }
0x46: {  	[sflag:s22] =	ssyncset.done $0x0  }
0x47: {  	s28 =	sadd.s32 $0xA0, s26;
	[sflag:s22] =	ssyncadd.s32 $0xFFFFD800  }
0x48: {  	[tilespmem:s18], [sflag:$0x1] =	stream.indirect.gather [hbm4b:s8+s17], $0x80, s28, s17, $0xb8;
	[tilespmem:$0x1D780] =	vst v63  }
.Ltmp0:
0x49: {  	_ = 	snop;
	(pc) =	sbr.rel @p1 .LBB2_2-.Ltmp0, $4  }
0x4a: {  	s26 =	sadd.s32 $0x27D0, s26  }
0x4b: {  	[spmem:s2] =	stream.indirect.scatter.add.f32 [tilespmem:s20], [sflag:$0x3], $0x80, s26, s17, $0xb8;
	[tilespmem:$0x1D780] =	vst v63  }
0x4c: {  	_ =	swait.ge [sflag:s15], $0x2800  }
0x4d: {  	[sflag:s15] =	ssyncset.done $0x0  }
0x4e: {  	[sflag:s15] =	ssyncadd.s32 $0xFFFFD800  }
0x4f: {  	_ =	swait.ge [sflag:s19], $0x2800  }
0x50: {  	[sflag:s19] =	ssyncset.done $0x0  }
0x51: {  	[sflag:s19] =	ssyncadd.s32 $0xFFFFD800  }
0x52: {  	[spmem:s2] =	stream.indirect.scatter.add.f32 [tilespmem:s18], [sflag:$0x4], $0x80, s23, s17, $0xb8;
	[tilespmem:$0x1D780] =	vst v63  }
0x53: {  	_ =	swait.ge [sflag:s21], $0x2800  }
0x54: {  	[sflag:s21] =	ssyncset.done $0x0  }
0x55: {  	[sflag:s21] =	ssyncadd.s32 $0xFFFFD800  }
0x56: {  	s25 =	simm.s32 @p0 $0x1FC3;
	[bflag:$0x0] =	sbarrier.arrive $0xFFFF  }
0x57: {  	[hbm:s10], [sflag:s25] =	dma.local @p0 [spmem:s12], $0x2800  }
0x58: {  	s25 =	simm.s32 @p0 $0x3  }
0x59: {  	s24 =	sadd.s32 $0x1, s24;
	_ =	swait.ge @p0 [sflag:s25], $0x2800  }
0x5a: {  	p1 =	sne.s32 s24, s11;
	[sflag:s25] =	ssyncset.done @p0 $0x0  }
.Ltmp1:
0x5b: {  	[sflag:s25] =	ssyncadd.s32 @p0 $0xFFFFD800;
	s25 =	simm.s32 @!p0 $0x3;
	(pc) =	sbr.rel @p1 .LBB2_1-.Ltmp1, $4  }
0x5c: {  	[hbm:s9], [sflag:s13] =	dma.local @!p0 [spmem:s14], $0x2700  }
0x5d: {  	_ =	swait.ge @!p0 [sflag:s25], $0x2700  }
0x5e: {  	[sflag:s25] =	ssyncset.done @!p0 $0x0  }
0x5f: {  	[sflag:s25] =	ssyncadd.s32 @!p0 $0xFFFFD900  }
0x60: {  	_ =	sfence.sel $0x180000  }
0x61: {  	[bflag:$0x0] =	sbarrier.arrive $0xFFFF  }
0x62: {  	p0 =	sne.s32 s1, $0x0;
	_ =	strace $0x9000004D  }
0x63: {  	s0 =	sadd.s32 @!p0 $0x100000, s0;
	[bflag:$0x2] =	sbarrier.arrive $0xFFFF  }
0x64: {  	[sflag:s0] =	ssyncadd.tile.s32 @!p0 $0x1;
	_ =	shalt  }
.Lfunc_end2:
_tile_overlayer_lowered:
.L_overlay_start_2:
0x65: {  	(tag) =	ssettag $0x2  }
0x66: {  	s0 =	rddreg [dreg:$0x0];
	s2 =	stileid.u32  }
0x67: {  	s1 =	rddreg [dreg:$0x1];
	p0 =	sne.s32 s2, $0x0  }
0x68: {  	s3 =	rddreg [dreg:$0x2];
	[bflag:$0x3] =	sbarrier.arrive $0xFFFF;
	s2 =	simm.s32 @!p0 $0x1C03  }
0x69: {  	[timem:s3], [sflag:s2] =	dma.local @!p0 [hbm:s0], s1  }
0x6a: {  	s0 =	simm.s32 @!p0 $0x3  }
0x6b: {  	_ =	swait.ge @!p0 [sflag:s0], s1  }
0x6c: {  	s1 =	ssub.s32 @!p0 $0x0, s1;
	[sflag:s0] =	ssyncset.done @!p0 $0x0  }
0x6d: {  	[sflag:s0] =	ssyncadd.s32 @!p0 s1  }
0x6e: {  	[bflag:$0x3] =	sbarrier.arrive $0xFFFF  }
0x6f: {  	_ =	shalt  }

// kernel: kernel.19.cloned.1.call-start
scs
__scs_entry_jumppad:
0x0: {  	(pc) =	sbr.rel $0x88, $3  }
0x1: {  	(tag) =	ssettag $0x0;
	lr =	simm.s32 $0x1  }
0x2: {  	[smem:$0x3F9C] =	sst lr;
	_ =	strace $0xD0000000  }
0x3: {  	_ = 	snop  }
0x4: {  	_ = 	snop  }
0x5: {  	_ = 	snop  }
0x6: {  	_ = 	snop  }
0x7: {  	_ = 	snop  }
__scs_overlays_trampoline_lowered:
0x8: {  	[smem:$0x3FAB] =	sst s0  }
0x9: {  	[smem:$0x3FAC] =	sst s1  }
0xa: {  	[smem:$0x3FAD] =	sst s2  }
0xb: {  	[smem:$0x3FAE] =	sst s3  }
0xc: {  	[smem:$0x3FAF] =	sst s4  }
0xd: {  	[smem:$0x3FB0] =	sst s5  }
0xe: {  	[smem:$0x3FB1] =	sst s6  }
0xf: {  	[smem:$0x3FB2] =	sst s7  }
0x10: {  	[smem:$0x3FB3] =	sst s8  }
0x11: {  	[smem:$0x3FB4] =	sst s9;
	s0 =	simm.s32 @!p0 $0x0  }
0x12: {  	s1 =	sld [smem:$0x3F9A];
	s0 =	simm.s32 @p0 $0x1  }
0x13: {  	[smem:$0x3FB5] =	sst s0;
	s0 =	simm.s32 @!p1 $0x0  }
0x14: {  	s2 =	sld [smem:$0x3F99];
	s0 =	simm.s32 @p1 $0x1  }
0x15: {  	[smem:$0x3FB6] =	sst s0;
	s0 =	simm.s32 @!p2 $0x0  }
0x16: {  	s3 =	sld [smem:$0x3FDB];
	s0 =	simm.s32 @p2 $0x1  }
0x17: {  	s4 =	simm.s32 $0x1BF5;
	[smem:$0x3FB8] =	sst s0  }
0x18: {  	s0 =	sld [smem:$0x3F9B];
	_ =	swait.ge [sflag:s4], $0x0  }
0x19: {  	s7 =	sld [smem:$0x3F9C]  }
0x1a: {  	s8 =	sadd.s32 $0xFFFFE003, lr  }
0x1b: {  	s9 =	sadd.s32 $0xFFFFFEF7, lr;
	s5 =	simm.s32 $0xFFFFFFFF;
	p2 =	slt.u32 s8, $0xFFFFF086  }
0x1c: {  	p1 =	slt.u32 s9, $0xF7A;
	s5 =	simm.s32 @!p2 $0x0  }
0x1d: {  	s5 =	simm.s32 @p1 $0x1;
	p0 =	seq.s32 s7, s2  }
0x1e: {  	s7 =	smul.u32 @!p0 $0xF7A, s2;
	p2 =	seq.s32 @!p0 s5, $0x0  }
0x1f: {  	s9 =	smul.u32 $0xF7A, s1;
	s8 =	simm.s32 @!p0 $0x1BF5;
	p2 =	por !p2, p0  }
0x20: {  	[sflag:s8] =	ssyncset.s32 @!p0 $0xFFFFF086;
	s6 =	sadd.s32 @!p0 s3, s7;
	s7 =	simm.s32 @!p0 $0x108  }
0x21: {  	s3 =	sadd.s32 s3, s9;
	s6 =	sadd.s32 @!p0 $0x88, s6;
	s7 =	simm.s32 @p2 $0x1082  }
0x22: {  	[simem:s7], [sflag:s8] =	dma.local @!p0 [hbm:s6], $0xF7A  }
0x23: {  	s9 =	sor.u32 $0xD0000000, s2;
	s6 =	simm.s32 $0x108;
	_ =	swait.ge @!p0 [sflag:s8], $0x0  }
0x24: {  	s3 =	sadd.s32 $0x88, s3;
	s6 =	simm.s32 @!p1 $0x1082;
	[sflag:s4] =	ssyncset.s32 $0xFFFFF086  }
0x25: {  	[simem:s6], [sflag:s4] =	dma.local [hbm:s3], $0xF7A  }
0x26: {  	[smem:$0x3F9C] =	sst s1;
	(tag) =	ssettag s2;
	_ =	strace s9  }
0x27: {  	s1 =	sld [smem:$0x3FAC]  }
0x28: {  	s2 =	sld [smem:$0x3FAD]  }
0x29: {  	s4 =	sld [smem:$0x3FAF]  }
0x2a: {  	p0 =	seq.s32 s5, $0x0;
	s5 =	sld [smem:$0x3FB0]  }
0x2b: {  	s6 =	sld [smem:$0x3FB1]  }
0x2c: {  	s7 =	sld [smem:$0x3FB2]  }
0x2d: {  	s3 =	simm.s32 $0x108;
	s8 =	sld [smem:$0x3FB3]  }
0x2e: {  	s3 =	simm.s32 @!p0 $0x1082;
	s9 =	sld [smem:$0x3FB4]  }
0x2f: {  	lr =	sadd.s32 s0, s3;
	s0 =	sld [smem:$0x3FAB]  }
0x30: {  	s3 =	sld [smem:$0x3FAE]  }
0x31: {  	[smem:$0x3FB7] =	sst s10  }
0x32: {  	s10 =	sld [smem:$0x3FB5];
	_ =	sdelay $0x3  }
0x33: {  	p0 =	seq.s32 s10, $0x1;
	s10 =	sld [smem:$0x3FB7];
	_ =	sdelay $0x3  }
0x34: {  	[smem:$0x3FB7] =	sst s10  }
0x35: {  	s10 =	sld [smem:$0x3FB6];
	_ =	sdelay $0x3  }
0x36: {  	p1 =	seq.s32 s10, $0x1;
	s10 =	sld [smem:$0x3FB7];
	_ =	sdelay $0x3  }
0x37: {  	[smem:$0x3FB7] =	sst s10  }
0x38: {  	s10 =	sld [smem:$0x3FB8]  }
0x39: {  	_ = 	snop;
	(pc) =	sbr.ind lr, $3  }
0x3a: {  	_ = 	snop  }
0x3b: {  	_ = 	snop  }
0x3c: {  	p2 =	seq.s32 s10, $0x1;
	s10 =	sld [smem:$0x3FB7]  }
0x3d: {  	_ =	shalt  }
0x3e: {  	_ =	shalt  }
0x3f: {  	_ =	shalt  }
0x40: {  	_ =	shalt  }
0x41: {  	_ =	shalt  }
0x42: {  	_ =	shalt  }
0x43: {  	_ =	shalt  }
0x44: {  	_ =	shalt  }
0x45: {  	_ =	shalt  }
0x46: {  	_ =	shalt  }
0x47: {  	_ =	shalt  }
0x48: {  	_ =	shalt  }
0x49: {  	_ =	shalt  }
0x4a: {  	_ =	shalt  }
0x4b: {  	_ =	shalt  }
0x4c: {  	_ =	shalt  }
0x4d: {  	_ =	shalt  }
0x4e: {  	_ =	shalt  }
0x4f: {  	_ =	shalt  }
0x50: {  	_ =	shalt  }
0x51: {  	_ =	shalt  }
0x52: {  	_ =	shalt  }
0x53: {  	_ =	shalt  }
0x54: {  	_ =	shalt  }
0x55: {  	_ =	shalt  }
0x56: {  	_ =	shalt  }
0x57: {  	_ =	shalt  }
0x58: {  	_ =	shalt  }
0x59: {  	_ =	shalt  }
0x5a: {  	_ =	shalt  }
0x5b: {  	_ =	shalt  }
0x5c: {  	_ =	shalt  }
0x5d: {  	_ =	shalt  }
0x5e: {  	_ =	shalt  }
0x5f: {  	_ =	shalt  }
0x60: {  	_ =	shalt  }
0x61: {  	_ =	shalt  }
0x62: {  	_ =	shalt  }
0x63: {  	_ =	shalt  }
0x64: {  	_ =	shalt  }
0x65: {  	_ =	shalt  }
0x66: {  	_ =	shalt  }
0x67: {  	_ =	shalt  }
0x68: {  	_ =	shalt  }
0x69: {  	_ =	shalt  }
0x6a: {  	_ =	shalt  }
0x6b: {  	_ =	shalt  }
0x6c: {  	_ =	shalt  }
0x6d: {  	_ =	shalt  }
0x6e: {  	_ =	shalt  }
0x6f: {  	_ =	shalt  }
0x70: {  	_ =	shalt  }
0x71: {  	_ =	shalt  }
0x72: {  	_ =	shalt  }
0x73: {  	_ =	shalt  }
0x74: {  	_ =	shalt  }
0x75: {  	_ =	shalt  }
0x76: {  	_ =	shalt  }
0x77: {  	_ =	shalt  }
0x78: {  	_ =	shalt  }
0x79: {  	_ =	shalt  }
0x7a: {  	_ =	shalt  }
0x7b: {  	_ =	shalt  }
0x7c: {  	_ =	shalt  }
0x7d: {  	_ =	shalt  }
0x7e: {  	_ =	shalt  }
0x7f: {  	_ =	shalt  }
0x80: {  	_ =	shalt  }
0x81: {  	_ =	shalt  }
0x82: {  	_ =	shalt  }
0x83: {  	_ =	shalt  }
0x84: {  	_ =	shalt  }
0x85: {  	_ =	shalt  }
0x86: {  	_ =	shalt  }
0x87: {  	_ =	shalt  }
.Lfunc_end0:
.L_simem_size_0:
called_computation.3_lowered:
.L_overlay_start_0:
0x88: {  	s2 =	sld [smem:$0x3FD9]  }
0x89: {  	s3 =	sld [smem:$0x3FFE];
	_ =	sdelay $0x1  }
0x8a: {  	s1 =	srdreg.scid  }
0x8b: {  	s0 =	sand.u32 $0x1, s1  }
0x8c: {  	s17 =	sshll.u32 s0, $0xA;
	s2 =	sadd.s32 s3, s2  }
0x8d: {  	s2 =	sadd.s32 s2, s17  }
0x8e: {  	[smem:$0x3FC3] =	sst s2  }
0x8f: {  	_ = 	snop  }
0x90: {  	s2 =	sld [smem:$0x3FD0];
	(tm) =	ssettm $0x1  }
0x91: {  	s18 =	sld [smem:$0x3FFB];
	_ =	sdelay $0x3  }
0x92: {  	_ =	strace s18  }
0x93: {  	s3 =	sld [smem:$0x3FFC];
	_ =	sdelay $0x3  }
0x94: {  	_ =	strace s3  }
0x95: {  	s3 =	sld [smem:$0x3FFD];
	_ =	sdelay $0x3  }
0x96: {  	_ =	strace s3  }
0x97: {  	_ =	strace $0x8FFFFFFF  }
0x98: {  	s19 =	sld [smem:$0x3FDB];
	_ =	sdelay $0x1  }
0x99: {  	s4 =	simm.s32 $_scs_section_size  }
0x9a: {  	s5 =	simm.s32 $_size__tile_overlayer_lowered;
	s6 =	simm.s32 $_tile_overlayer_lowered  }
0x9b: {  	s22 =	simm.s32 $0x1BFF;
	s21 =	sshll.u32 s6, $0x1;
	s3 =	sadd.s32 s4, s19  }
0x9c: {  	s7 =	simm.s32 $0x0;
	s20 =	sshll.u32 s5, $0x1;
	s5 =	sadd.s32 s21, s3  }
0x9d: {  	[timem:s7], [sflag:s22] =	dma.local [hbm:s5], s20  }
0x9e: {  	_ =	swait.ge [sflag:s22], s20  }
0x9f: {  	s4 =	ssub.s32 $0x0, s20;
	[sflag:s22] =	ssyncset.done $0x0  }
0xa0: {  	[sflag:s22] =	ssyncadd.s32 s4;
	_ =	sdelay $0x1  }
0xa1: {  	s23 =	simm.s32 $0x1B8B  }
0xa2: {  	_ =	swait.ge [sflag:s23], $0x1  }
0xa3: {  	[sflag:s23] =	ssyncset.done $0x0  }
0xa4: {  	s25 =	simm.s32 $0x1B8E;
	s24 =	sld [smem:$0x3FFE];
	[sflag:s23] =	ssyncadd.s32 $0xFFFFFFFF  }
0xa5: {  	s26 =	simm.s32 $execute0_lowered;
	[smem:$0x3FD2] =	sst s25  }
0xa6: {  	s5 =	sshll.u32 s26, $0x1;
	_ =	strace $0x8000004F;
	[dreg:$0x1] =	wrdreg $0xFFFFFFFF  }
0xa7: {  	s28 =	simm.s32 $_size_execute0_lowered;
	s3 =	sadd.s32 s3, s5;
	[dreg:$0x0] =	wrdreg $0x0  }
0xa8: {  	s5 =	sshll.u32 s28, $0x1;
	[dreg:$0x2] =	wrdreg s3  }
0xa9: {  	[dreg:$0x3] =	wrdreg s5  }
0xaa: {  	[dreg:$0x4] =	wrdreg $0xC0  }
0xab: {  	_ =	task [dreg:s7], $0x5FFFF  }
0xac: {  	[dreg:$0x1] =	wrdreg $0xFFFFFFFF  }
0xad: {  	[dreg:$0x0] =	wrdreg $0x60  }
0xae: {  	[dreg:$0x2] =	wrdreg s2  }
0xaf: {  	[dreg:$0x3] =	wrdreg s24  }
0xb0: {  	[dreg:$0x4] =	wrdreg $0x9F000  }
0xb1: {  	[dreg:$0x5] =	wrdreg $0x9  }
0xb2: {  	_ =	task.clear_ibuf [dreg:s7], $0x6FFFF;
	_ =	strace $0x9000004F  }
0xb3: {  	s29 =	simm.s32 $0x9;
	_ =	strace $0x80000051  }
0xb4: {  	_ =	swait.ge [sflag:s29], $0x1  }
0xb5: {  	[sflag:s29] =	ssyncadd.s32 $0xFFFFFFFF  }
0xb6: {  	_ =	strace $0x90000051  }
0xb7: {  	_ =	sfence  }
0xb8: {  	s30 =	sld [smem:$0x0];
	_ =	sdelay $0x2  }
0xb9: {  	s31 =	sshll.u32 s1, $0xD;
	s1 =	sshrl.u32 s1, $0x2  }
0xba: {  	s3 =	sand.u32 $0x4000, s31;
	s1 =	sadd.s32 s1, s30  }
0xbb: {  	s0 =	sor.u32 s3, s0;
	s1 =	sshll.u32 s1, $0x11  }
0xbc: {  	s0 =	sor.u32 s1, s0  }
0xbd: {  	s0 =	sadd.s32 $0x8F2B, s0  }
0xbe: {  	[sflag:s0] =	ssyncadd.remote.s32 $0x1  }
0xbf: {  	_ =	sfence.sel $0xFFFF  }
0xc0: {  	[dreg:$0x0] =	wrdreg $0xFFFFFFFF;
	(pc) =	sbr.abs _section_cstart, $3  }
0xc1: {  	[dreg:$0x1] =	wrdreg $0xFFFFFFFF  }
0xc2: {  	_ =	task.clear_ibuf [dreg:s7], $0x2FFFF;
	_ =	strace $0x9FFFFFFF  }
0xc3: {  	(tm) =	ssettm $0x7FFFFFFF  }
tec
execute0_lowered:
.L_overlay_start_1:
0x0: {  	(tag) =	ssettag $0x1  }
0x1: {  	s8 =	rddreg [dreg:$0x0]  }
0x2: {  	s5 =	rddreg [dreg:$0x1]  }
0x3: {  	s2 =	rddreg [dreg:$0x2]  }
0x4: {  	s0 =	rddreg [dreg:$0x3];
	s3 =	simm.s32 $0x0;
	s1 =	stileid.u32  }
0x5: {  	s6 =	srdreg.scid;
	s16 =	simm.s32 $0x2780;
	s17 =	simm.s32 $0x50  }
0x6: {  	s18 =	simm.s32 $0x4F00;
	s19 =	simm.s32 $0x1;
	s20 =	simm.s32 $0x7700  }
0x7: {  	s21 =	simm.s32 $0x4;
	s22 =	simm.s32 $0x2;
	s4 =	smul.u32 $0x4E2, s1  }
0x8: {  	s23 =	simm.s32 $0x4E40;
	s24 =	simm.s32 $0x0;
	s7 =	smul.u32 $0x2700, s1  }
0x9: {  	[smem:$0x7FF] =	sst s3;
	s6 =	sand.u32 $0x1, s6;
	s10 =	smul.u32 $0x4E000, s1  }
0xa: {  	s11 =	sadd.s32 $0x3C800, s5;
	s13 =	smul.u32 $0x13800, s1;
	s15 =	sadd.s32 $0x124800, s2  }
0xb: {  	p0 =	seq.s32 s1, $0xF;
	_ =	strace $0x80000050;
	s26 =	ssub.s32 $0x2, s6  }
0xc: {  	s29 =	smul.u32 $0x138800, s6;
	s9 =	sadd.s32 s4, s5;
	s7 =	sadd.s32 s7, s5  }
0xd: {  	s12 =	sshrl.u32 s26, $0x1;
	s28 =	sshrl.u32 s10, $0x2;
	s5 =	sadd.s32 $0x39F00, s5  }
0xe: {  	s12 =	ssub.s32 s26, s12;
	s14 =	sadd.s32 s28, s2;
	s4 =	sadd.s32 $0x15600, s7  }
0xf: {  	s6 =	sadd.s32 $0x6800, s9;
	s7 =	sadd.s32 $0x1800, s9;
	s30 =	sshrl.u32 s29, $0x3  }
0x10: {  	s10 =	sadd.s32 s13, s29;
	s13 =	sshll.u32 @!p0 s1, $0x6;
	s8 =	sadd.s32 s8, s30  }
0x11: {  	s10 =	sshrl.u32 s10, $0x3;
	s31 =	sadd.s32 s11, s30;
	s13 =	sor.u32 @!p0 $0x1C03, s13  }
0x12: {  	s14 =	sshrl.u32 @!p0 s14, $0x3;
	s9 =	sadd.s32 s11, s10;
	s10 =	sadd.s32 $0x24900, s31  }
0x13: {  	s11 =	smax.u32 s12, $0x1;
	s12 =	sshrl.u32 @p0 s15, $0x3;
	s15 =	simm.s32 $0x3  }
.LBB2_1:
0x14: {  	s25 =	simm.s32 @p0 $0x1FC3  }
0x15: {  	[spmem:s12], [sflag:s25] =	dma.local @p0 [hbm:s5], $0x2800  }
0x16: {  	s25 =	simm.s32 @p0 $0x3  }
0x17: {  	_ =	swait.ge @p0 [sflag:s25], $0x2800  }
0x18: {  	[sflag:s25] =	ssyncset.done @p0 $0x0  }
0x19: {  	[sflag:s25] =	ssyncadd.s32 @p0 $0xFFFFD800;
	s25 =	simm.s32 @!p0 $0x3  }
0x1a: {  	[spmem:s14], [sflag:s13] =	dma.local @!p0 [hbm:s4], $0x2700  }
0x1b: {  	_ =	swait.ge @!p0 [sflag:s25], $0x2700  }
0x1c: {  	[sflag:s25] =	ssyncset.done @!p0 $0x0  }
0x1d: {  	[sflag:s25] =	ssyncadd.s32 @!p0 $0xFFFFD900  }
0x1e: {  	[tilespmem:s3], [sflag:$0x3] =	stream.linear.gather [hbm4b:s6+s3], $0x2710, $0x38;
	[tilespmem:$0x1D780] =	vst v63  }
0x1f: {  	_ =	swait.ge [sflag:s15], $0x2710  }
0x20: {  	[sflag:s15] =	ssyncset.done $0x0  }
0x21: {  	[sflag:s15] =	ssyncadd.s32 $0xFFFFD8F0  }
0x22: {  	[tilespmem:s16], [sflag:$0x3] =	stream.linear.gather [hbm4b:s7+s3], $0x2710, $0x38;
	[tilespmem:$0x1D780] =	vst v63  }
0x23: {  	_ =	swait.ge [sflag:s15], $0x2710  }
0x24: {  	[sflag:s15] =	ssyncset.done $0x0  }
0x25: {  	[sflag:s15] =	ssyncadd.s32 $0xFFFFD8F0  }
0x26: {  	[bflag:$0x0] =	sbarrier.arrive $0xFFFF  }
0x27: {  	[tilespmem:s18], [sflag:$0x1] =	stream.indirect.gather [hbm4b:s8+s17], $0x80, s3, s17, $0xb8;
	[tilespmem:$0x1D780] =	vst v63  }
0x28: {  	_ =	swait.ge [sflag:s19], $0x2800  }
0x29: {  	[sflag:s19] =	ssyncset.done $0x0  }
0x2a: {  	s28 =	simm.s32 $0x50;
	[sflag:s19] =	ssyncadd.s32 $0xFFFFD800  }
0x2b: {  	[tilespmem:s20], [sflag:$0x2] =	stream.indirect.gather [hbm4b:s8+s17], $0x80, s28, s17, $0xb8;
	[tilespmem:$0x1D780] =	vst v63  }
0x2c: {  	s29 =	simm.s32 $0x2780  }
0x2d: {  	[spmem:s2] =	stream.indirect.scatter.add.f32 [tilespmem:s18], [sflag:$0x4], $0x80, s29, s17, $0xb8;
	[tilespmem:$0x1D780] =	vst v63  }
0x2e: {  	_ =	swait.ge [sflag:s21], $0x2800  }
0x2f: {  	[sflag:s21] =	ssyncset.done $0x0  }
0x30: {  	[sflag:s21] =	ssyncadd.s32 $0xFFFFD800  }
0x31: {  	_ =	swait.ge [sflag:s22], $0x2800  }
0x32: {  	[sflag:s22] =	ssyncset.done $0x0  }
0x33: {  	s30 =	simm.s32 $0xA0;
	[sflag:s22] =	ssyncadd.s32 $0xFFFFD800  }
0x34: {  	[tilespmem:s18], [sflag:$0x1] =	stream.indirect.gather [hbm4b:s8+s17], $0x80, s30, s17, $0xb8;
	[tilespmem:$0x1D780] =	vst v63  }
0x35: {  	s31 =	simm.s32 $0x27D0  }
0x36: {  	[spmem:s2] =	stream.indirect.scatter.add.f32 [tilespmem:s20], [sflag:$0x3], $0x80, s31, s17, $0xb8;
	[tilespmem:$0x1D780] =	vst v63  }
0x37: {  	_ =	swait.ge [sflag:s15], $0x2800  }
0x38: {  	s25 =	simm.s32 $0x280;
	[sflag:s15] =	ssyncset.done $0x0  }
.LBB2_2:
0x39: {  	p1 =	sne.s32 s25, $0x9880  }
0x3a: {  	[sflag:s15] =	ssyncadd.s32 $0xFFFFD800;
	s26 =	smov.u32 s25;
	s25 =	sadd.s32 $0x280, s25  }
0x3b: {  	_ = 	snop  }
0x3c: {  	_ =	swait.ge [sflag:s19], $0x2800  }
0x3d: {  	s26 =	sshra.s32 s26, $0x2;
	[sflag:s19] =	ssyncset.done $0x0  }
0x3e: {  	s28 =	sadd.s32 $0x50, s26;
	[sflag:s19] =	ssyncadd.s32 $0xFFFFD800  }
0x3f: {  	[tilespmem:s20], [sflag:$0x2] =	stream.indirect.gather [hbm4b:s8+s17], $0x80, s28, s17, $0xb8;
	[tilespmem:$0x1D780] =	vst v63  }
0x40: {  	s28 =	sadd.s32 $0x2780, s26  }
0x41: {  	[spmem:s2] =	stream.indirect.scatter.add.f32 [tilespmem:s18], [sflag:$0x4], $0x80, s28, s17, $0xb8;
	[tilespmem:$0x1D780] =	vst v63  }
0x42: {  	_ =	swait.ge [sflag:s21], $0x2800  }
0x43: {  	[sflag:s21] =	ssyncset.done $0x0  }
0x44: {  	[sflag:s21] =	ssyncadd.s32 $0xFFFFD800  }
0x45: {  	_ =	swait.ge [sflag:s22], $0x2800  }
0x46: {  	[sflag:s22] =	ssyncset.done $0x0  }
0x47: {  	s28 =	sadd.s32 $0xA0, s26;
	[sflag:s22] =	ssyncadd.s32 $0xFFFFD800  }
0x48: {  	[tilespmem:s18], [sflag:$0x1] =	stream.indirect.gather [hbm4b:s8+s17], $0x80, s28, s17, $0xb8;
	[tilespmem:$0x1D780] =	vst v63  }
.Ltmp0:
0x49: {  	_ = 	snop;
	(pc) =	sbr.rel @p1 .LBB2_2-.Ltmp0, $4  }
0x4a: {  	s26 =	sadd.s32 $0x27D0, s26  }
0x4b: {  	[spmem:s2] =	stream.indirect.scatter.add.f32 [tilespmem:s20], [sflag:$0x3], $0x80, s26, s17, $0xb8;
	[tilespmem:$0x1D780] =	vst v63  }
0x4c: {  	_ =	swait.ge [sflag:s15], $0x2800  }
0x4d: {  	[sflag:s15] =	ssyncset.done $0x0  }
0x4e: {  	[sflag:s15] =	ssyncadd.s32 $0xFFFFD800  }
0x4f: {  	_ =	swait.ge [sflag:s19], $0x2800  }
0x50: {  	[sflag:s19] =	ssyncset.done $0x0  }
0x51: {  	[sflag:s19] =	ssyncadd.s32 $0xFFFFD800  }
0x52: {  	[spmem:s2] =	stream.indirect.scatter.add.f32 [tilespmem:s18], [sflag:$0x4], $0x80, s23, s17, $0xb8;
	[tilespmem:$0x1D780] =	vst v63  }
0x53: {  	_ =	swait.ge [sflag:s21], $0x2800  }
0x54: {  	[sflag:s21] =	ssyncset.done $0x0  }
0x55: {  	[sflag:s21] =	ssyncadd.s32 $0xFFFFD800  }
0x56: {  	s25 =	simm.s32 @p0 $0x1FC3;
	[bflag:$0x0] =	sbarrier.arrive $0xFFFF  }
0x57: {  	[hbm:s10], [sflag:s25] =	dma.local @p0 [spmem:s12], $0x2800  }
0x58: {  	s25 =	simm.s32 @p0 $0x3  }
0x59: {  	s24 =	sadd.s32 $0x1, s24;
	_ =	swait.ge @p0 [sflag:s25], $0x2800  }
0x5a: {  	p1 =	sne.s32 s24, s11;
	[sflag:s25] =	ssyncset.done @p0 $0x0  }
.Ltmp1:
0x5b: {  	[sflag:s25] =	ssyncadd.s32 @p0 $0xFFFFD800;
	s25 =	simm.s32 @!p0 $0x3;
	(pc) =	sbr.rel @p1 .LBB2_1-.Ltmp1, $4  }
0x5c: {  	[hbm:s9], [sflag:s13] =	dma.local @!p0 [spmem:s14], $0x2700  }
0x5d: {  	_ =	swait.ge @!p0 [sflag:s25], $0x2700  }
0x5e: {  	[sflag:s25] =	ssyncset.done @!p0 $0x0  }
0x5f: {  	[sflag:s25] =	ssyncadd.s32 @!p0 $0xFFFFD900  }
0x60: {  	_ =	sfence.sel $0x180000  }
0x61: {  	[bflag:$0x0] =	sbarrier.arrive $0xFFFF  }
0x62: {  	p0 =	sne.s32 s1, $0x0;
	_ =	strace $0x90000050  }
0x63: {  	s0 =	sadd.s32 @!p0 $0x100000, s0;
	[bflag:$0x2] =	sbarrier.arrive $0xFFFF  }
0x64: {  	[sflag:s0] =	ssyncadd.tile.s32 @!p0 $0x1;
	_ =	shalt  }
.Lfunc_end2:
_tile_overlayer_lowered:
.L_overlay_start_2:
0x65: {  	(tag) =	ssettag $0x2  }
0x66: {  	s0 =	rddreg [dreg:$0x0];
	s2 =	stileid.u32  }
0x67: {  	s1 =	rddreg [dreg:$0x1];
	p0 =	sne.s32 s2, $0x0  }
0x68: {  	s3 =	rddreg [dreg:$0x2];
	[bflag:$0x3] =	sbarrier.arrive $0xFFFF;
	s2 =	simm.s32 @!p0 $0x1C03  }
0x69: {  	[timem:s3], [sflag:s2] =	dma.local @!p0 [hbm:s0], s1  }
0x6a: {  	s0 =	simm.s32 @!p0 $0x3  }
0x6b: {  	_ =	swait.ge @!p0 [sflag:s0], s1  }
0x6c: {  	s1 =	ssub.s32 @!p0 $0x0, s1;
	[sflag:s0] =	ssyncset.done @!p0 $0x0  }
0x6d: {  	[sflag:s0] =	ssyncadd.s32 @!p0 s1  }
0x6e: {  	[bflag:$0x3] =	sbarrier.arrive $0xFFFF  }
0x6f: {  	_ =	shalt  }

</sc_bundles>
